<compile_context>
chip_gen: v7x
topology: tpu7x:2x2x1
jax: 0.10.2.dev20260603
libtpu: 0.0.44.dev20260713+nightly
codegen_flags: <defaults>
</compile_context>

<pallas_src>
import functools

import jax
import jax.numpy as jnp
from jax import lax
from jax.experimental import pallas as pl
from jax.experimental.pallas import tpu as pltpu
from jax.experimental.pallas import tpu_sc as plsc

BS, H, W = 2, 96, 320
M = H * W
NP = 8192
KNN = 3
C3 = 64
MB_A = 512
MB_C = 1024
DPAD = 128
WIN = 120
NWORK = 32
NSTEP = KNN * M // (NWORK * WIN)
NBUF = 2


def _topk_body(uv_ref, xs_ref, ys_ref, idx_ref):
    px = uv_ref[0:1, :]
    py = uv_ref[1:2, :]
    qx = xs_ref[...]
    qy = ys_ref[...]
    qq = qx * qx + qy * qy
    pp = px * px + py * py
    qm2 = (jnp.concatenate([qx, qy], axis=1) * 2.0).astype(jnp.bfloat16)
    pm = uv_ref[...].astype(jnp.bfloat16)
    qp2 = lax.dot_general(qm2, pm, (((1,), (0,)), ((), ())),
                          preferred_element_type=jnp.float32)
    d = (qq - qp2) + pp
    iotaf = lax.broadcasted_iota(jnp.int32, d.shape, 1).astype(jnp.float32)
    inf = jnp.float32(jnp.inf)
    bigf = jnp.float32(NP)

    def sel(dcur):
        m = jnp.min(dcur, axis=1, keepdims=True)
        return jnp.min(jnp.where(dcur == m, iotaf, bigf), axis=1,
                       keepdims=True)

    i1 = sel(d)
    d2 = jnp.where(iotaf == i1, inf, d)
    i2 = sel(d2)
    d3 = jnp.where(iotaf == i2, inf, d2)
    i3 = sel(d3)
    idx_ref[...] = jnp.concatenate([i1, i2, i3], axis=1).astype(jnp.int32)


def _knn_call(uv_b, xs, ys):
    return pl.pallas_call(
        _topk_body,
        grid=(M // MB_A,),
        in_specs=[
            pl.BlockSpec((2, NP), lambda m: (0, 0)),
            pl.BlockSpec((MB_A, 1), lambda m: (m, 0)),
            pl.BlockSpec((MB_A, 1), lambda m: (m, 0)),
        ],
        out_specs=pl.BlockSpec((MB_A, KNN), lambda m: (m, 0)),
        out_shape=jax.ShapeDtypeStruct((M, KNN), jnp.int32),
    )(uv_b, xs, ys)


def _gather_call(idx2, table):
    mesh = plsc.VectorSubcoreMesh(core_axis_name="c", subcore_axis_name="s")

    @functools.partial(
        pl.kernel,
        out_type=jax.ShapeDtypeStruct((KNN * M, DPAD), jnp.float32),
        mesh=mesh,
        scratch_types=(
            [pltpu.VMEM_SHARED((NP, DPAD), jnp.float32),
             pltpu.VMEM((NSTEP, WIN), jnp.int32)]
            + [pltpu.VMEM((WIN, DPAD), jnp.float32) for _ in range(NBUF)]
            + [pltpu.SemaphoreType.DMA for _ in range(NBUF)]
        ),
    )
    def gk(idx_hbm, table_hbm, out_hbm, spm, idx_v, rv0, rv1, sm0, sm1):
        bufs = (rv0, rv1)
        sems = (sm0, sm1)
        cid = lax.axis_index("c")
        sid = lax.axis_index("s")
        wid = sid * 2 + cid
        rows = NP // 16
        pltpu.sync_copy(table_hbm.at[pl.ds(sid * rows, rows)],
                        spm.at[pl.ds(sid * rows, rows)])
        w0 = wid * NSTEP
        pltpu.sync_copy(idx_hbm.at[pl.ds(w0, NSTEP)], idx_v)
        plsc.subcore_barrier()

        def fire(s, t):
            pltpu.async_copy(spm.at[idx_v.at[s]], bufs[t], sems[t])

        def wait_scatter(s, t):
            pltpu.make_async_copy(
                spm.at[idx_v.at[s]], bufs[t], sems[t]).wait()
            pltpu.sync_copy(
                bufs[t], out_hbm.at[pl.ds((w0 + s) * WIN, WIN)])

        for t in range(NBUF):
            fire(t, t)

        @pl.loop(0, NSTEP - NBUF, step=NBUF)
        def _(g):
            for t in range(NBUF):
                wait_scatter(g + t, t)
                fire(g + t + NBUF, t)

        for t in range(NBUF):
            wait_scatter(NSTEP - NBUF + t, t)

    return gk(idx2, table)


def _mlp_body(g_ref, xs_ref, ys_ref, w1t_ref, b1_ref, w2_ref, b2_ref,
              wo_ref, bo_ref, out_ref):
    qx = xs_ref[...]
    qy = ys_ref[...]
    w1t = w1t_ref[...]
    acc = jnp.zeros((MB_C, C3), jnp.float32)
    for k in range(KNN):
        gk = g_ref[k]
        f3 = gk[:, 0:C3]
        ux = gk[:, C3:C3 + 1]
        uy = gk[:, C3 + 1:C3 + 2]
        ox = ux - qx
        oy = uy - qy
        on = jnp.sqrt(ox * ox + oy * oy)
        h = (ox * w1t[0:1, :] + oy * w1t[1:2, :] + on * w1t[2:3, :]
             + b1_ref[...])
        h = jnp.where(h >= 0, h, 0.1 * h)
        s = lax.dot_general(h, w2_ref[...], (((1,), (1,)), ((), ())),
                            preferred_element_type=jnp.float32) + b2_ref[...]
        s = 1.0 / (1.0 + jnp.exp(-s))
        acc = acc + s * f3
    o = lax.dot_general(wo_ref[...], acc, (((1,), (1,)), ((), ())),
                        preferred_element_type=jnp.float32) + bo_ref[...]
    out_ref[...] = jnp.where(o >= 0, o, 0.1 * o)


def _mlp_call(g3, xs, ys, w1t, b1r, w2, b2r, wo, bor):
    zmap = lambda m: (0, 0)
    return pl.pallas_call(
        _mlp_body,
        grid=(M // MB_C,),
        in_specs=[
            pl.BlockSpec((KNN, MB_C, DPAD), lambda m: (0, m, 0)),
            pl.BlockSpec((MB_C, 1), lambda m: (m, 0)),
            pl.BlockSpec((MB_C, 1), lambda m: (m, 0)),
            pl.BlockSpec((KNN, 16), zmap),
            pl.BlockSpec((1, 16), zmap),
            pl.BlockSpec((C3, 16), zmap),
            pl.BlockSpec((1, C3), zmap),
            pl.BlockSpec((C3, C3), zmap),
            pl.BlockSpec((C3, 1), zmap),
        ],
        out_specs=pl.BlockSpec((C3, MB_C), lambda m: (0, m)),
        out_shape=jax.ShapeDtypeStruct((C3, M), jnp.float32),
    )(g3, xs, ys, w1t, b1r, w2, b2r, wo, bor)


def kernel(uv, feat_2d, feat_3d, w1, b1, w2, b2, wo, bo):
    m = jnp.arange(M, dtype=jnp.int32)
    xs = (m % W).astype(jnp.float32).reshape(M, 1)
    ys = (m // W).astype(jnp.float32).reshape(M, 1)

    cat = jnp.concatenate([feat_3d, uv], axis=1)
    tab = jnp.transpose(cat, (0, 2, 1))
    tab = jnp.pad(tab, ((0, 0), (0, 0), (0, DPAD - 66)))

    w1t = jnp.transpose(w1, (1, 0))
    b1r = b1.reshape(1, 16)
    b2r = b2.reshape(1, C3)
    bor = bo.reshape(C3, 1)

    outs = []
    for b in range(BS):
        idx = _knn_call(uv[b], xs, ys)
        idx2 = idx.transpose(1, 0).reshape(KNN * M // WIN, WIN)
        g = _gather_call(idx2, tab[b])
        g3 = g.reshape(KNN, M, DPAD)
        outs.append(_mlp_call(g3, xs, ys, w1t, b1r, w2, b2r, wo, bor))
    return jnp.stack(outs).reshape(BS, C3, H, W)

# --- scband reference (transcript-rebuilt; emitter-appended) ---
"""Pipeline reference for scband-fusion-aware-interp-83786222010990 (READ-ONLY COPY).

The authoritative reference and input builder live on the scoring server;
editing this copy changes nothing except your own understanding.
"""

import jax, jax.numpy as jnp
import numpy as np

BS, C2D, H, W = 2, 64, 96, 320
N_PTS, C3D, K = 8192, 64, 3
CHUNK = 3840


def setup_inputs(seed: int = 0):
    key = jax.random.key(seed)
    k1, k2, k3, k4, k5, k6 = jax.random.split(key, 6)
    uv = jax.random.uniform(k1, (BS, 2, N_PTS), dtype=jnp.float32)
    feat_2d = jax.random.normal(k2, (BS, C2D, H, W), dtype=jnp.float32)
    feat_3d = jax.random.normal(k3, (BS, C3D, N_PTS), dtype=jnp.float32)
    w1 = jax.random.normal(k4, (16, 3), dtype=jnp.float32) * 0.1
    b1 = jnp.zeros((16,), jnp.float32)
    w2 = jax.random.normal(k5, (C3D, 16), dtype=jnp.float32) * 0.1
    b2 = jnp.zeros((C3D,), jnp.float32)
    wo = jax.random.normal(k6, (C3D, C3D), dtype=jnp.float32) * 0.05
    bo = jnp.zeros((C3D,), jnp.float32)
    return dict(uv=uv, feat_2d=feat_2d, feat_3d=feat_3d, w1=w1, b1=b1, w2=w2, b2=b2, wo=wo, bo=bo)


def _conv1x1(x, w, b):
    # x: [bs, Cin, M, k] -> [bs, Cout, M, k]
    return jnp.einsum('bcmk,oc->bomk', x, w) + b[None, :, None, None]


def _mesh_grid(bs, h, w):
    ys, xs = jnp.meshgrid(jnp.arange(h, dtype=jnp.float32), jnp.arange(w, dtype=jnp.float32), indexing='ij')
    grid = jnp.stack([xs, ys], axis=0)  # [2, h, w], channel 0 = x, channel 1 = y
    return jnp.broadcast_to(grid[None], (bs, 2, h, w))


def _knn(uv, grid, k):
    # uv: [bs, 2, N] points; grid: [bs, 2, M] queries -> idx [bs, M, k]
    bs, _, M = grid.shape
    uv_t = jnp.transpose(uv, (0, 2, 1))        # [bs, N, 2]
    grid_t = jnp.transpose(grid, (0, 2, 1))    # [bs, M, 2]
    n_chunks = M // CHUNK
    q = grid_t.reshape(bs, n_chunks, CHUNK, 2).transpose(1, 0, 2, 3)  # [nc, bs, CHUNK, 2]
    sq_uv = jnp.sum(uv_t ** 2, axis=-1)        # [bs, N]

    def per_chunk(qc):
        d = (jnp.sum(qc ** 2, axis=-1)[:, :, None]
             - 2.0 * jnp.einsum('bmc,bnc->bmn', qc, uv_t)
             + sq_uv[:, None, :])
        _, idx = jax.lax.top_k(-d, k)
        return idx

    idx = jax.lax.map(per_chunk, q)            # [nc, bs, CHUNK, k]
    return idx.transpose(1, 0, 2, 3).reshape(bs, M, k)


def _batch_indexing(data, idx):
    # data: [bs, C, N], idx: [bs, M, k] -> [bs, C, M, k]
    return jax.vmap(lambda d, i: d[:, i])(data, idx)


def _forward(uv, feat_2d, feat_3d, w1, b1, w2, b2, wo, bo):
    bs, _, h, w = feat_2d.shape
    c3 = feat_3d.shape[1]
    grid = _mesh_grid(bs, h, w).reshape(bs, 2, -1)           # [bs, 2, M]
    knn_idx = _knn(uv, grid, K)                              # [bs, M, K]
    cat = jnp.concatenate([uv, feat_3d], axis=1)             # [bs, 2+c3, N]
    knn = _batch_indexing(cat, knn_idx)                      # [bs, 2+c3, M, K]
    knn_uv, knn_f3 = knn[:, :2], knn[:, 2:]
    knn_offset = knn_uv - grid[..., None]                    # [bs, 2, M, K]
    knn_offset_norm = jnp.linalg.norm(knn_offset, axis=1, keepdims=True)
    score_input = jnp.concatenate([knn_offset, knn_offset_norm], axis=1)  # [bs, 3, M, K]
    h1 = jax.nn.leaky_relu(_conv1x1(score_input, w1, b1), 0.1)
    score = jax.nn.sigmoid(_conv1x1(h1, w2, b2))             # [bs, c3, M, K]
    final = (score * knn_f3).sum(axis=-1).reshape(bs, c3, h, w)
    out = jax.nn.leaky_relu(jnp.einsum('bchw,oc->bohw', final, wo) + bo[None, :, None, None], 0.1)
    return out


def reference(uv, feat_2d, feat_3d, w1, b1, w2, b2, wo, bo):
    return _forward(uv, feat_2d, feat_3d, w1, b1, w2, b2, wo, bo)

if __name__ == "__main__":
    import jax
    _d = setup_inputs()
    print(jax.jit(kernel)(*tuple(_d.values())))

</pallas_src>

<mosaic_0001>
#map = affine_map<(d0, d1) -> (0, 0)>
module attributes {stable_mosaic.version = 14 : i64} {
  func.func @gk(%arg0: i32, %arg1: i32, %arg2: memref<768x120xi32, #tpu.memory_space<hbm>>, %arg3: memref<8192x128xf32, #tpu.memory_space<hbm>>, %arg4: memref<92160x128xf32, #tpu.memory_space<hbm>>, %arg5: memref<8192x128xf32, #tpu.memory_space<vmem_shared>>, %arg6: memref<24x120xi32, #tpu.memory_space<vmem>>, %arg7: memref<120x128xf32, #tpu.memory_space<vmem>>, %arg8: memref<120x128xf32, #tpu.memory_space<vmem>>, %arg9: memref<!tpu.dma_semaphore, #tpu.memory_space<semaphore_mem>>, %arg10: memref<!tpu.dma_semaphore, #tpu.memory_space<semaphore_mem>>) attributes {dimension_semantics = [#tpu.dimension_semantics<core_parallel>, #tpu.dimension_semantics<subcore_parallel>], iteration_bounds = array<i64: 2, 16>, scalar_prefetch = 0 : i64, scratch_operands = 6 : i64, tpu.core_type = #tpu.core_type<sc_vector_subcore>, window_params = [{transform_indices = #map}, {transform_indices = #map}, {transform_indices = #map}]} {
    %mul3A = arith.constant 2 : i32
    %mul3A_0 = arith.muli %arg1, %mul3A : i32
    %add3A = arith.addi %mul3A_0, %arg0 : i32
    %mul3A_1 = arith.constant 512 : i32
    %mul3A_2 = arith.muli %arg1, %mul3A_1 : i32
    %mul3A_3 = arith.constant 512 : i32
    %mul3A_4 = arith.muli %arg1, %mul3A_3 : i32
    "tpu.region"() ({
      %run_scoped3A = tpu.sem_alloc : memref<!tpu.dma_semaphore, #tpu.memory_space<semaphore_mem>>
      %dma_start3A_45 = arith.constant 0 : i32
      %dma_start3A_46 = tpu.memref_slice %arg5[%mul3A_4, %dma_start3A_45] : memref<8192x128xf32, #tpu.memory_space<vmem_shared>> -> memref<512x128xf32, #tpu.memory_space<vmem_shared>>
      %dma_start3A_47 = arith.constant 0 : i32
      %dma_start3A_48 = tpu.memref_slice %arg3[%mul3A_2, %dma_start3A_47] : memref<8192x128xf32, #tpu.memory_space<hbm>> -> memref<512x128xf32, #tpu.memory_space<hbm>>
      tpu.enqueue_dma source(%dma_start3A_48 : memref<512x128xf32, #tpu.memory_space<hbm>>) target(%dma_start3A_46 : memref<512x128xf32, #tpu.memory_space<vmem_shared>>) target_semaphore(%run_scoped3A : memref<!tpu.dma_semaphore, #tpu.memory_space<semaphore_mem>>)
      %dma_wait3A_49 = arith.constant 0 : i32
      %dma_wait3A_50 = tpu.memref_slice %arg5[%mul3A_4, %dma_wait3A_49] : memref<8192x128xf32, #tpu.memory_space<vmem_shared>> -> memref<512x128xf32, #tpu.memory_space<vmem_shared>>
      %dma_wait3A_51 = arith.constant 0 : i32
      %dma_wait3A_52 = tpu.memref_slice %arg3[%mul3A_2, %dma_wait3A_51] : memref<8192x128xf32, #tpu.memory_space<hbm>> -> memref<512x128xf32, #tpu.memory_space<hbm>>
      tpu.wait_dma2 semaphore(%run_scoped3A : memref<!tpu.dma_semaphore, #tpu.memory_space<semaphore_mem>>) src(%dma_wait3A_52 : memref<512x128xf32, #tpu.memory_space<hbm>>) dst(%dma_wait3A_50 : memref<512x128xf32, #tpu.memory_space<vmem_shared>>)
      tpu.yield
    }) : () -> ()
    %mul3A_5 = arith.constant 24 : i32
    %mul3A_6 = arith.muli %add3A, %mul3A_5 : i32
    "tpu.region"() ({
      %run_scoped3A = tpu.sem_alloc : memref<!tpu.dma_semaphore, #tpu.memory_space<semaphore_mem>>
      %dma_start3A_45 = arith.constant 0 : i32
      %dma_start3A_46 = tpu.memref_slice %arg2[%mul3A_6, %dma_start3A_45] : memref<768x120xi32, #tpu.memory_space<hbm>> -> memref<24x120xi32, #tpu.memory_space<hbm>>
      %dma_start3A_47 = arith.constant 0 : i32
      %dma_start3A_48 = tpu.memref_slice %arg2[%mul3A_6, %dma_start3A_47] : memref<768x120xi32, #tpu.memory_space<hbm>> -> memref<24x120xi32, #tpu.memory_space<hbm>>
      tpu.enqueue_dma source(%dma_start3A_48 : memref<24x120xi32, #tpu.memory_space<hbm>>) target(%arg6 : memref<24x120xi32, #tpu.memory_space<vmem>>) target_semaphore(%run_scoped3A : memref<!tpu.dma_semaphore, #tpu.memory_space<semaphore_mem>>)
      %dma_wait3A_49 = arith.constant 0 : i32
      %dma_wait3A_50 = tpu.memref_slice %arg2[%mul3A_6, %dma_wait3A_49] : memref<768x120xi32, #tpu.memory_space<hbm>> -> memref<24x120xi32, #tpu.memory_space<hbm>>
      %dma_wait3A_51 = arith.constant 0 : i32
      %dma_wait3A_52 = tpu.memref_slice %arg2[%mul3A_6, %dma_wait3A_51] : memref<768x120xi32, #tpu.memory_space<hbm>> -> memref<24x120xi32, #tpu.memory_space<hbm>>
      tpu.wait_dma2 semaphore(%run_scoped3A : memref<!tpu.dma_semaphore, #tpu.memory_space<semaphore_mem>>) src(%dma_wait3A_52 : memref<24x120xi32, #tpu.memory_space<hbm>>) dst(%arg6 : memref<24x120xi32, #tpu.memory_space<vmem>>)
      tpu.yield
    }) : () -> ()
    %barrier3A = arith.constant 0 : index
    tpu.barrier barrier_id(%barrier3A)
    %dma_start3A = arith.constant 0 : i32
    %dma_start3A_7 = arith.constant 0 : i32
    %dma_start3A_8 = tpu.memref_slice %arg6[%dma_start3A, %dma_start3A_7] : memref<24x120xi32, #tpu.memory_space<vmem>> -> memref<1x120xi32, #tpu.memory_space<vmem>>
    %dma_start3A_9 = tpu.memref_squeeze %dma_start3A_8 : memref<1x120xi32, #tpu.memory_space<vmem>> -> memref<120xi32, #tpu.memory_space<vmem>>
    %dma_start3A_10 = arith.constant 0 : i32
    %dma_start3A_11 = arith.constant 0 : i32
    %dma_start3A_12 = tpu.memref_slice %arg5[%dma_start3A_10, %dma_start3A_11] : memref<8192x128xf32, #tpu.memory_space<vmem_shared>> -> memref<8192x128xf32, #tpu.memory_space<vmem_shared>>
    tpu.enqueue_indirect_dma source(%dma_start3A_12 : memref<8192x128xf32, #tpu.memory_space<vmem_shared>>) target(%arg7 : memref<120x128xf32, #tpu.memory_space<vmem>>) offsets(%dma_start3A_9 : memref<120xi32, #tpu.memory_space<vmem>>) semaphore(%arg9 : memref<!tpu.dma_semaphore, #tpu.memory_space<semaphore_mem>>)
    %dma_start3A_13 = arith.constant 1 : i32
    %dma_start3A_14 = arith.constant 0 : i32
    %dma_start3A_15 = tpu.memref_slice %arg6[%dma_start3A_13, %dma_start3A_14] : memref<24x120xi32, #tpu.memory_space<vmem>> -> memref<1x120xi32, #tpu.memory_space<vmem>>
    %dma_start3A_16 = tpu.memref_squeeze %dma_start3A_15 : memref<1x120xi32, #tpu.memory_space<vmem>> -> memref<120xi32, #tpu.memory_space<vmem>>
    %dma_start3A_17 = arith.constant 0 : i32
    %dma_start3A_18 = arith.constant 0 : i32
    %dma_start3A_19 = tpu.memref_slice %arg5[%dma_start3A_17, %dma_start3A_18] : memref<8192x128xf32, #tpu.memory_space<vmem_shared>> -> memref<8192x128xf32, #tpu.memory_space<vmem_shared>>
    tpu.enqueue_indirect_dma source(%dma_start3A_19 : memref<8192x128xf32, #tpu.memory_space<vmem_shared>>) target(%arg8 : memref<120x128xf32, #tpu.memory_space<vmem>>) offsets(%dma_start3A_16 : memref<120xi32, #tpu.memory_space<vmem>>) semaphore(%arg10 : memref<!tpu.dma_semaphore, #tpu.memory_space<semaphore_mem>>)
    %scan3A = arith.constant 0 : i32
    %scan3A_20 = arith.constant 11 : i32
    %scan3A_21 = arith.addi %scan3A, %scan3A_20 : i32
    %scan3A_22 = arith.constant 1 : i32
    scf.for %scan3A_45 = %scan3A to %scan3A_21 step %scan3A_22  : i32 {
      %mul3A_46 = arith.constant 2 : i32
      %mul3A_47 = arith.muli %scan3A_45, %mul3A_46 : i32
      %add3A_48 = arith.constant 0 : i32
      %add3A_49 = arith.addi %add3A_48, %mul3A_47 : i32
      %add3A_50 = arith.constant 0 : i32
      %add3A_51 = arith.addi %add3A_49, %add3A_50 : i32
      %dma_wait3A_52 = arith.constant 0 : i32
      %dma_wait3A_53 = tpu.memref_slice %arg6[%add3A_51, %dma_wait3A_52] : memref<24x120xi32, #tpu.memory_space<vmem>> -> memref<1x120xi32, #tpu.memory_space<vmem>>
      %dma_wait3A_54 = tpu.memref_squeeze %dma_wait3A_53 : memref<1x120xi32, #tpu.memory_space<vmem>> -> memref<120xi32, #tpu.memory_space<vmem>>
      %dma_wait3A_55 = arith.constant 0 : i32
      %dma_wait3A_56 = arith.constant 0 : i32
      %dma_wait3A_57 = tpu.memref_slice %arg5[%dma_wait3A_55, %dma_wait3A_56] : memref<8192x128xf32, #tpu.memory_space<vmem_shared>> -> memref<8192x128xf32, #tpu.memory_space<vmem_shared>>
      tpu.wait_indirect_dma semaphore(%arg9 : memref<!tpu.dma_semaphore, #tpu.memory_space<semaphore_mem>>) src(%dma_wait3A_57 : memref<8192x128xf32, #tpu.memory_space<vmem_shared>>) dst(%arg7 : memref<120x128xf32, #tpu.memory_space<vmem>>)
      %add3A_58 = arith.addi %mul3A_6, %add3A_51 : i32
      %mul3A_59 = arith.constant 120 : i32
      %mul3A_60 = arith.muli %add3A_58, %mul3A_59 : i32
      "tpu.region"() ({
        %run_scoped3A = tpu.sem_alloc : memref<!tpu.dma_semaphore, #tpu.memory_space<semaphore_mem>>
        %dma_start3A_92 = arith.constant 0 : i32
        %dma_start3A_93 = tpu.memref_slice %arg4[%mul3A_60, %dma_start3A_92] : memref<92160x128xf32, #tpu.memory_space<hbm>> -> memref<120x128xf32, #tpu.memory_space<hbm>>
        %dma_start3A_94 = arith.constant 0 : i32
        %dma_start3A_95 = tpu.memref_slice %arg4[%mul3A_60, %dma_start3A_94] : memref<92160x128xf32, #tpu.memory_space<hbm>> -> memref<120x128xf32, #tpu.memory_space<hbm>>
        tpu.enqueue_dma source(%arg7 : memref<120x128xf32, #tpu.memory_space<vmem>>) target(%dma_start3A_95 : memref<120x128xf32, #tpu.memory_space<hbm>>) target_semaphore(%run_scoped3A : memref<!tpu.dma_semaphore, #tpu.memory_space<semaphore_mem>>)
        %dma_wait3A_96 = arith.constant 0 : i32
        %dma_wait3A_97 = tpu.memref_slice %arg4[%mul3A_60, %dma_wait3A_96] : memref<92160x128xf32, #tpu.memory_space<hbm>> -> memref<120x128xf32, #tpu.memory_space<hbm>>
        %dma_wait3A_98 = arith.constant 0 : i32
        %dma_wait3A_99 = tpu.memref_slice %arg4[%mul3A_60, %dma_wait3A_98] : memref<92160x128xf32, #tpu.memory_space<hbm>> -> memref<120x128xf32, #tpu.memory_space<hbm>>
        tpu.wait_dma2 semaphore(%run_scoped3A : memref<!tpu.dma_semaphore, #tpu.memory_space<semaphore_mem>>) src(%arg7 : memref<120x128xf32, #tpu.memory_space<vmem>>) dst(%dma_wait3A_99 : memref<120x128xf32, #tpu.memory_space<hbm>>)
        tpu.yield
      }) : () -> ()
      %add3A_61 = arith.constant 0 : i32
      %add3A_62 = arith.addi %add3A_49, %add3A_61 : i32
      %add3A_63 = arith.constant 2 : i32
      %add3A_64 = arith.addi %add3A_62, %add3A_63 : i32
      %dma_start3A_65 = arith.constant 0 : i32
      %dma_start3A_66 = tpu.memref_slice %arg6[%add3A_64, %dma_start3A_65] : memref<24x120xi32, #tpu.memory_space<vmem>> -> memref<1x120xi32, #tpu.memory_space<vmem>>
      %dma_start3A_67 = tpu.memref_squeeze %dma_start3A_66 : memref<1x120xi32, #tpu.memory_space<vmem>> -> memref<120xi32, #tpu.memory_space<vmem>>
      %dma_start3A_68 = arith.constant 0 : i32
      %dma_start3A_69 = arith.constant 0 : i32
      %dma_start3A_70 = tpu.memref_slice %arg5[%dma_start3A_68, %dma_start3A_69] : memref<8192x128xf32, #tpu.memory_space<vmem_shared>> -> memref<8192x128xf32, #tpu.memory_space<vmem_shared>>
      tpu.enqueue_indirect_dma source(%dma_start3A_70 : memref<8192x128xf32, #tpu.memory_space<vmem_shared>>) target(%arg7 : memref<120x128xf32, #tpu.memory_space<vmem>>) offsets(%dma_start3A_67 : memref<120xi32, #tpu.memory_space<vmem>>) semaphore(%arg9 : memref<!tpu.dma_semaphore, #tpu.memory_space<semaphore_mem>>)
      %add3A_71 = arith.constant 1 : i32
      %add3A_72 = arith.addi %add3A_49, %add3A_71 : i32
      %dma_wait3A_73 = arith.constant 0 : i32
      %dma_wait3A_74 = tpu.memref_slice %arg6[%add3A_72, %dma_wait3A_73] : memref<24x120xi32, #tpu.memory_space<vmem>> -> memref<1x120xi32, #tpu.memory_space<vmem>>
      %dma_wait3A_75 = tpu.memref_squeeze %dma_wait3A_74 : memref<1x120xi32, #tpu.memory_space<vmem>> -> memref<120xi32, #tpu.memory_space<vmem>>
      %dma_wait3A_76 = arith.constant 0 : i32
      %dma_wait3A_77 = arith.constant 0 : i32
      %dma_wait3A_78 = tpu.memref_slice %arg5[%dma_wait3A_76, %dma_wait3A_77] : memref<8192x128xf32, #tpu.memory_space<vmem_shared>> -> memref<8192x128xf32, #tpu.memory_space<vmem_shared>>
      tpu.wait_indirect_dma semaphore(%arg10 : memref<!tpu.dma_semaphore, #tpu.memory_space<semaphore_mem>>) src(%dma_wait3A_78 : memref<8192x128xf32, #tpu.memory_space<vmem_shared>>) dst(%arg8 : memref<120x128xf32, #tpu.memory_space<vmem>>)
      %add3A_79 = arith.addi %mul3A_6, %add3A_72 : i32
      %mul3A_80 = arith.constant 120 : i32
      %mul3A_81 = arith.muli %add3A_79, %mul3A_80 : i32
      "tpu.region"() ({
        %run_scoped3A = tpu.sem_alloc : memref<!tpu.dma_semaphore, #tpu.memory_space<semaphore_mem>>
        %dma_start3A_92 = arith.constant 0 : i32
        %dma_start3A_93 = tpu.memref_slice %arg4[%mul3A_81, %dma_start3A_92] : memref<92160x128xf32, #tpu.memory_space<hbm>> -> memref<120x128xf32, #tpu.memory_space<hbm>>
        %dma_start3A_94 = arith.constant 0 : i32
        %dma_start3A_95 = tpu.memref_slice %arg4[%mul3A_81, %dma_start3A_94] : memref<92160x128xf32, #tpu.memory_space<hbm>> -> memref<120x128xf32, #tpu.memory_space<hbm>>
        tpu.enqueue_dma source(%arg8 : memref<120x128xf32, #tpu.memory_space<vmem>>) target(%dma_start3A_95 : memref<120x128xf32, #tpu.memory_space<hbm>>) target_semaphore(%run_scoped3A : memref<!tpu.dma_semaphore, #tpu.memory_space<semaphore_mem>>)
        %dma_wait3A_96 = arith.constant 0 : i32
        %dma_wait3A_97 = tpu.memref_slice %arg4[%mul3A_81, %dma_wait3A_96] : memref<92160x128xf32, #tpu.memory_space<hbm>> -> memref<120x128xf32, #tpu.memory_space<hbm>>
        %dma_wait3A_98 = arith.constant 0 : i32
        %dma_wait3A_99 = tpu.memref_slice %arg4[%mul3A_81, %dma_wait3A_98] : memref<92160x128xf32, #tpu.memory_space<hbm>> -> memref<120x128xf32, #tpu.memory_space<hbm>>
        tpu.wait_dma2 semaphore(%run_scoped3A : memref<!tpu.dma_semaphore, #tpu.memory_space<semaphore_mem>>) src(%arg8 : memref<120x128xf32, #tpu.memory_space<vmem>>) dst(%dma_wait3A_99 : memref<120x128xf32, #tpu.memory_space<hbm>>)
        tpu.yield
      }) : () -> ()
      %add3A_82 = arith.constant 1 : i32
      %add3A_83 = arith.addi %add3A_49, %add3A_82 : i32
      %add3A_84 = arith.constant 2 : i32
      %add3A_85 = arith.addi %add3A_83, %add3A_84 : i32
      %dma_start3A_86 = arith.constant 0 : i32
      %dma_start3A_87 = tpu.memref_slice %arg6[%add3A_85, %dma_start3A_86] : memref<24x120xi32, #tpu.memory_space<vmem>> -> memref<1x120xi32, #tpu.memory_space<vmem>>
      %dma_start3A_88 = tpu.memref_squeeze %dma_start3A_87 : memref<1x120xi32, #tpu.memory_space<vmem>> -> memref<120xi32, #tpu.memory_space<vmem>>
      %dma_start3A_89 = arith.constant 0 : i32
      %dma_start3A_90 = arith.constant 0 : i32
      %dma_start3A_91 = tpu.memref_slice %arg5[%dma_start3A_89, %dma_start3A_90] : memref<8192x128xf32, #tpu.memory_space<vmem_shared>> -> memref<8192x128xf32, #tpu.memory_space<vmem_shared>>
      tpu.enqueue_indirect_dma source(%dma_start3A_91 : memref<8192x128xf32, #tpu.memory_space<vmem_shared>>) target(%arg8 : memref<120x128xf32, #tpu.memory_space<vmem>>) offsets(%dma_start3A_88 : memref<120xi32, #tpu.memory_space<vmem>>) semaphore(%arg10 : memref<!tpu.dma_semaphore, #tpu.memory_space<semaphore_mem>>)
    }
    %scan3A_23 = arith.constant 11 : i32
    %dma_wait3A = arith.constant 22 : i32
    %dma_wait3A_24 = arith.constant 0 : i32
    %dma_wait3A_25 = tpu.memref_slice %arg6[%dma_wait3A, %dma_wait3A_24] : memref<24x120xi32, #tpu.memory_space<vmem>> -> memref<1x120xi32, #tpu.memory_space<vmem>>
    %dma_wait3A_26 = tpu.memref_squeeze %dma_wait3A_25 : memref<1x120xi32, #tpu.memory_space<vmem>> -> memref<120xi32, #tpu.memory_space<vmem>>
    %dma_wait3A_27 = arith.constant 0 : i32
    %dma_wait3A_28 = arith.constant 0 : i32
    %dma_wait3A_29 = tpu.memref_slice %arg5[%dma_wait3A_27, %dma_wait3A_28] : memref<8192x128xf32, #tpu.memory_space<vmem_shared>> -> memref<8192x128xf32, #tpu.memory_space<vmem_shared>>
    tpu.wait_indirect_dma semaphore(%arg9 : memref<!tpu.dma_semaphore, #tpu.memory_space<semaphore_mem>>) src(%dma_wait3A_29 : memref<8192x128xf32, #tpu.memory_space<vmem_shared>>) dst(%arg7 : memref<120x128xf32, #tpu.memory_space<vmem>>)
    %add3A_30 = arith.constant 22 : i32
    %add3A_31 = arith.addi %mul3A_6, %add3A_30 : i32
    %mul3A_32 = arith.constant 120 : i32
    %mul3A_33 = arith.muli %add3A_31, %mul3A_32 : i32
    "tpu.region"() ({
      %run_scoped3A = tpu.sem_alloc : memref<!tpu.dma_semaphore, #tpu.memory_space<semaphore_mem>>
      %dma_start3A_45 = arith.constant 0 : i32
      %dma_start3A_46 = tpu.memref_slice %arg4[%mul3A_33, %dma_start3A_45] : memref<92160x128xf32, #tpu.memory_space<hbm>> -> memref<120x128xf32, #tpu.memory_space<hbm>>
      %dma_start3A_47 = arith.constant 0 : i32
      %dma_start3A_48 = tpu.memref_slice %arg4[%mul3A_33, %dma_start3A_47] : memref<92160x128xf32, #tpu.memory_space<hbm>> -> memref<120x128xf32, #tpu.memory_space<hbm>>
      tpu.enqueue_dma source(%arg7 : memref<120x128xf32, #tpu.memory_space<vmem>>) target(%dma_start3A_48 : memref<120x128xf32, #tpu.memory_space<hbm>>) target_semaphore(%run_scoped3A : memref<!tpu.dma_semaphore, #tpu.memory_space<semaphore_mem>>)
      %dma_wait3A_49 = arith.constant 0 : i32
      %dma_wait3A_50 = tpu.memref_slice %arg4[%mul3A_33, %dma_wait3A_49] : memref<92160x128xf32, #tpu.memory_space<hbm>> -> memref<120x128xf32, #tpu.memory_space<hbm>>
      %dma_wait3A_51 = arith.constant 0 : i32
      %dma_wait3A_52 = tpu.memref_slice %arg4[%mul3A_33, %dma_wait3A_51] : memref<92160x128xf32, #tpu.memory_space<hbm>> -> memref<120x128xf32, #tpu.memory_space<hbm>>
      tpu.wait_dma2 semaphore(%run_scoped3A : memref<!tpu.dma_semaphore, #tpu.memory_space<semaphore_mem>>) src(%arg7 : memref<120x128xf32, #tpu.memory_space<vmem>>) dst(%dma_wait3A_52 : memref<120x128xf32, #tpu.memory_space<hbm>>)
      tpu.yield
    }) : () -> ()
    %dma_wait3A_34 = arith.constant 23 : i32
    %dma_wait3A_35 = arith.constant 0 : i32
    %dma_wait3A_36 = tpu.memref_slice %arg6[%dma_wait3A_34, %dma_wait3A_35] : memref<24x120xi32, #tpu.memory_space<vmem>> -> memref<1x120xi32, #tpu.memory_space<vmem>>
    %dma_wait3A_37 = tpu.memref_squeeze %dma_wait3A_36 : memref<1x120xi32, #tpu.memory_space<vmem>> -> memref<120xi32, #tpu.memory_space<vmem>>
    %dma_wait3A_38 = arith.constant 0 : i32
    %dma_wait3A_39 = arith.constant 0 : i32
    %dma_wait3A_40 = tpu.memref_slice %arg5[%dma_wait3A_38, %dma_wait3A_39] : memref<8192x128xf32, #tpu.memory_space<vmem_shared>> -> memref<8192x128xf32, #tpu.memory_space<vmem_shared>>
    tpu.wait_indirect_dma semaphore(%arg10 : memref<!tpu.dma_semaphore, #tpu.memory_space<semaphore_mem>>) src(%dma_wait3A_40 : memref<8192x128xf32, #tpu.memory_space<vmem_shared>>) dst(%arg8 : memref<120x128xf32, #tpu.memory_space<vmem>>)
    %add3A_41 = arith.constant 23 : i32
    %add3A_42 = arith.addi %mul3A_6, %add3A_41 : i32
    %mul3A_43 = arith.constant 120 : i32
    %mul3A_44 = arith.muli %add3A_42, %mul3A_43 : i32
    "tpu.region"() ({
      %run_scoped3A = tpu.sem_alloc : memref<!tpu.dma_semaphore, #tpu.memory_space<semaphore_mem>>
      %dma_start3A_45 = arith.constant 0 : i32
      %dma_start3A_46 = tpu.memref_slice %arg4[%mul3A_44, %dma_start3A_45] : memref<92160x128xf32, #tpu.memory_space<hbm>> -> memref<120x128xf32, #tpu.memory_space<hbm>>
      %dma_start3A_47 = arith.constant 0 : i32
      %dma_start3A_48 = tpu.memref_slice %arg4[%mul3A_44, %dma_start3A_47] : memref<92160x128xf32, #tpu.memory_space<hbm>> -> memref<120x128xf32, #tpu.memory_space<hbm>>
      tpu.enqueue_dma source(%arg8 : memref<120x128xf32, #tpu.memory_space<vmem>>) target(%dma_start3A_48 : memref<120x128xf32, #tpu.memory_space<hbm>>) target_semaphore(%run_scoped3A : memref<!tpu.dma_semaphore, #tpu.memory_space<semaphore_mem>>)
      %dma_wait3A_49 = arith.constant 0 : i32
      %dma_wait3A_50 = tpu.memref_slice %arg4[%mul3A_44, %dma_wait3A_49] : memref<92160x128xf32, #tpu.memory_space<hbm>> -> memref<120x128xf32, #tpu.memory_space<hbm>>
      %dma_wait3A_51 = arith.constant 0 : i32
      %dma_wait3A_52 = tpu.memref_slice %arg4[%mul3A_44, %dma_wait3A_51] : memref<92160x128xf32, #tpu.memory_space<hbm>> -> memref<120x128xf32, #tpu.memory_space<hbm>>
      tpu.wait_dma2 semaphore(%run_scoped3A : memref<!tpu.dma_semaphore, #tpu.memory_space<semaphore_mem>>) src(%arg8 : memref<120x128xf32, #tpu.memory_space<vmem>>) dst(%dma_wait3A_52 : memref<120x128xf32, #tpu.memory_space<hbm>>)
      tpu.yield
    }) : () -> ()
    return
  }
}

#map = affine_map<(d0, d1) -> (0, 0)>
module attributes {stable_mosaic.version = 14 : i64} {
  func.func @gk(%arg0: i32, %arg1: i32, %arg2: memref<768x120xi32, #tpu.memory_space<hbm>>, %arg3: memref<8192x128xf32, #tpu.memory_space<hbm>>, %arg4: memref<92160x128xf32, #tpu.memory_space<hbm>>, %arg5: memref<8192x128xf32, #tpu.memory_space<vmem_shared>>, %arg6: memref<24x120xi32, #tpu.memory_space<vmem>>, %arg7: memref<120x128xf32, #tpu.memory_space<vmem>>, %arg8: memref<120x128xf32, #tpu.memory_space<vmem>>, %arg9: memref<!tpu.dma_semaphore, #tpu.memory_space<semaphore_mem>>, %arg10: memref<!tpu.dma_semaphore, #tpu.memory_space<semaphore_mem>>) attributes {dimension_semantics = [#tpu.dimension_semantics<core_parallel>, #tpu.dimension_semantics<subcore_parallel>], iteration_bounds = array<i64: 2, 16>, scalar_prefetch = 0 : i64, scratch_operands = 6 : i64, tpu.core_type = #tpu.core_type<sc_vector_subcore>, window_params = [{transform_indices = #map}, {transform_indices = #map}, {transform_indices = #map}]} {
    %mul3A = arith.constant 2 : i32
    %mul3A_0 = arith.muli %arg1, %mul3A : i32
    %add3A = arith.addi %mul3A_0, %arg0 : i32
    %mul3A_1 = arith.constant 512 : i32
    %mul3A_2 = arith.muli %arg1, %mul3A_1 : i32
    %mul3A_3 = arith.constant 512 : i32
    %mul3A_4 = arith.muli %arg1, %mul3A_3 : i32
    "tpu.region"() ({
      %run_scoped3A = tpu.sem_alloc : memref<!tpu.dma_semaphore, #tpu.memory_space<semaphore_mem>>
      %dma_start3A_45 = arith.constant 0 : i32
      %dma_start3A_46 = tpu.memref_slice %arg5[%mul3A_4, %dma_start3A_45] : memref<8192x128xf32, #tpu.memory_space<vmem_shared>> -> memref<512x128xf32, #tpu.memory_space<vmem_shared>>
      %dma_start3A_47 = arith.constant 0 : i32
      %dma_start3A_48 = tpu.memref_slice %arg3[%mul3A_2, %dma_start3A_47] : memref<8192x128xf32, #tpu.memory_space<hbm>> -> memref<512x128xf32, #tpu.memory_space<hbm>>
      tpu.enqueue_dma source(%dma_start3A_48 : memref<512x128xf32, #tpu.memory_space<hbm>>) target(%dma_start3A_46 : memref<512x128xf32, #tpu.memory_space<vmem_shared>>) target_semaphore(%run_scoped3A : memref<!tpu.dma_semaphore, #tpu.memory_space<semaphore_mem>>)
      %dma_wait3A_49 = arith.constant 0 : i32
      %dma_wait3A_50 = tpu.memref_slice %arg5[%mul3A_4, %dma_wait3A_49] : memref<8192x128xf32, #tpu.memory_space<vmem_shared>> -> memref<512x128xf32, #tpu.memory_space<vmem_shared>>
      %dma_wait3A_51 = arith.constant 0 : i32
      %dma_wait3A_52 = tpu.memref_slice %arg3[%mul3A_2, %dma_wait3A_51] : memref<8192x128xf32, #tpu.memory_space<hbm>> -> memref<512x128xf32, #tpu.memory_space<hbm>>
      tpu.wait_dma2 semaphore(%run_scoped3A : memref<!tpu.dma_semaphore, #tpu.memory_space<semaphore_mem>>) src(%dma_wait3A_52 : memref<512x128xf32, #tpu.memory_space<hbm>>) dst(%dma_wait3A_50 : memref<512x128xf32, #tpu.memory_space<vmem_shared>>)
      tpu.yield
    }) : () -> ()
    %mul3A_5 = arith.constant 24 : i32
    %mul3A_6 = arith.muli %add3A, %mul3A_5 : i32
    "tpu.region"() ({
      %run_scoped3A = tpu.sem_alloc : memref<!tpu.dma_semaphore, #tpu.memory_space<semaphore_mem>>
      %dma_start3A_45 = arith.constant 0 : i32
      %dma_start3A_46 = tpu.memref_slice %arg2[%mul3A_6, %dma_start3A_45] : memref<768x120xi32, #tpu.memory_space<hbm>> -> memref<24x120xi32, #tpu.memory_space<hbm>>
      %dma_start3A_47 = arith.constant 0 : i32
      %dma_start3A_48 = tpu.memref_slice %arg2[%mul3A_6, %dma_start3A_47] : memref<768x120xi32, #tpu.memory_space<hbm>> -> memref<24x120xi32, #tpu.memory_space<hbm>>
      tpu.enqueue_dma source(%dma_start3A_48 : memref<24x120xi32, #tpu.memory_space<hbm>>) target(%arg6 : memref<24x120xi32, #tpu.memory_space<vmem>>) target_semaphore(%run_scoped3A : memref<!tpu.dma_semaphore, #tpu.memory_space<semaphore_mem>>)
      %dma_wait3A_49 = arith.constant 0 : i32
      %dma_wait3A_50 = tpu.memref_slice %arg2[%mul3A_6, %dma_wait3A_49] : memref<768x120xi32, #tpu.memory_space<hbm>> -> memref<24x120xi32, #tpu.memory_space<hbm>>
      %dma_wait3A_51 = arith.constant 0 : i32
      %dma_wait3A_52 = tpu.memref_slice %arg2[%mul3A_6, %dma_wait3A_51] : memref<768x120xi32, #tpu.memory_space<hbm>> -> memref<24x120xi32, #tpu.memory_space<hbm>>
      tpu.wait_dma2 semaphore(%run_scoped3A : memref<!tpu.dma_semaphore, #tpu.memory_space<semaphore_mem>>) src(%dma_wait3A_52 : memref<24x120xi32, #tpu.memory_space<hbm>>) dst(%arg6 : memref<24x120xi32, #tpu.memory_space<vmem>>)
      tpu.yield
    }) : () -> ()
    %barrier3A = arith.constant 0 : index
    tpu.barrier barrier_id(%barrier3A)
    %dma_start3A = arith.constant 0 : i32
    %dma_start3A_7 = arith.constant 0 : i32
    %dma_start3A_8 = tpu.memref_slice %arg6[%dma_start3A, %dma_start3A_7] : memref<24x120xi32, #tpu.memory_space<vmem>> -> memref<1x120xi32, #tpu.memory_space<vmem>>
    %dma_start3A_9 = tpu.memref_squeeze %dma_start3A_8 : memref<1x120xi32, #tpu.memory_space<vmem>> -> memref<120xi32, #tpu.memory_space<vmem>>
    %dma_start3A_10 = arith.constant 0 : i32
    %dma_start3A_11 = arith.constant 0 : i32
    %dma_start3A_12 = tpu.memref_slice %arg5[%dma_start3A_10, %dma_start3A_11] : memref<8192x128xf32, #tpu.memory_space<vmem_shared>> -> memref<8192x128xf32, #tpu.memory_space<vmem_shared>>
    tpu.enqueue_indirect_dma source(%dma_start3A_12 : memref<8192x128xf32, #tpu.memory_space<vmem_shared>>) target(%arg7 : memref<120x128xf32, #tpu.memory_space<vmem>>) offsets(%dma_start3A_9 : memref<120xi32, #tpu.memory_space<vmem>>) semaphore(%arg9 : memref<!tpu.dma_semaphore, #tpu.memory_space<semaphore_mem>>)
    %dma_start3A_13 = arith.constant 1 : i32
    %dma_start3A_14 = arith.constant 0 : i32
    %dma_start3A_15 = tpu.memref_slice %arg6[%dma_start3A_13, %dma_start3A_14] : memref<24x120xi32, #tpu.memory_space<vmem>> -> memref<1x120xi32, #tpu.memory_space<vmem>>
    %dma_start3A_16 = tpu.memref_squeeze %dma_start3A_15 : memref<1x120xi32, #tpu.memory_space<vmem>> -> memref<120xi32, #tpu.memory_space<vmem>>
    %dma_start3A_17 = arith.constant 0 : i32
    %dma_start3A_18 = arith.constant 0 : i32
    %dma_start3A_19 = tpu.memref_slice %arg5[%dma_start3A_17, %dma_start3A_18] : memref<8192x128xf32, #tpu.memory_space<vmem_shared>> -> memref<8192x128xf32, #tpu.memory_space<vmem_shared>>
    tpu.enqueue_indirect_dma source(%dma_start3A_19 : memref<8192x128xf32, #tpu.memory_space<vmem_shared>>) target(%arg8 : memref<120x128xf32, #tpu.memory_space<vmem>>) offsets(%dma_start3A_16 : memref<120xi32, #tpu.memory_space<vmem>>) semaphore(%arg10 : memref<!tpu.dma_semaphore, #tpu.memory_space<semaphore_mem>>)
    %scan3A = arith.constant 0 : i32
    %scan3A_20 = arith.constant 11 : i32
    %scan3A_21 = arith.addi %scan3A, %scan3A_20 : i32
    %scan3A_22 = arith.constant 1 : i32
    scf.for %scan3A_45 = %scan3A to %scan3A_21 step %scan3A_22  : i32 {
      %mul3A_46 = arith.constant 2 : i32
      %mul3A_47 = arith.muli %scan3A_45, %mul3A_46 : i32
      %add3A_48 = arith.constant 0 : i32
      %add3A_49 = arith.addi %add3A_48, %mul3A_47 : i32
      %add3A_50 = arith.constant 0 : i32
      %add3A_51 = arith.addi %add3A_49, %add3A_50 : i32
      %dma_wait3A_52 = arith.constant 0 : i32
      %dma_wait3A_53 = tpu.memref_slice %arg6[%add3A_51, %dma_wait3A_52] : memref<24x120xi32, #tpu.memory_space<vmem>> -> memref<1x120xi32, #tpu.memory_space<vmem>>
      %dma_wait3A_54 = tpu.memref_squeeze %dma_wait3A_53 : memref<1x120xi32, #tpu.memory_space<vmem>> -> memref<120xi32, #tpu.memory_space<vmem>>
      %dma_wait3A_55 = arith.constant 0 : i32
      %dma_wait3A_56 = arith.constant 0 : i32
      %dma_wait3A_57 = tpu.memref_slice %arg5[%dma_wait3A_55, %dma_wait3A_56] : memref<8192x128xf32, #tpu.memory_space<vmem_shared>> -> memref<8192x128xf32, #tpu.memory_space<vmem_shared>>
      tpu.wait_indirect_dma semaphore(%arg9 : memref<!tpu.dma_semaphore, #tpu.memory_space<semaphore_mem>>) src(%dma_wait3A_57 : memref<8192x128xf32, #tpu.memory_space<vmem_shared>>) dst(%arg7 : memref<120x128xf32, #tpu.memory_space<vmem>>)
      %add3A_58 = arith.addi %mul3A_6, %add3A_51 : i32
      %mul3A_59 = arith.constant 120 : i32
      %mul3A_60 = arith.muli %add3A_58, %mul3A_59 : i32
      "tpu.region"() ({
        %run_scoped3A = tpu.sem_alloc : memref<!tpu.dma_semaphore, #tpu.memory_space<semaphore_mem>>
        %dma_start3A_92 = arith.constant 0 : i32
        %dma_start3A_93 = tpu.memref_slice %arg4[%mul3A_60, %dma_start3A_92] : memref<92160x128xf32, #tpu.memory_space<hbm>> -> memref<120x128xf32, #tpu.memory_space<hbm>>
        %dma_start3A_94 = arith.constant 0 : i32
        %dma_start3A_95 = tpu.memref_slice %arg4[%mul3A_60, %dma_start3A_94] : memref<92160x128xf32, #tpu.memory_space<hbm>> -> memref<120x128xf32, #tpu.memory_space<hbm>>
        tpu.enqueue_dma source(%arg7 : memref<120x128xf32, #tpu.memory_space<vmem>>) target(%dma_start3A_95 : memref<120x128xf32, #tpu.memory_space<hbm>>) target_semaphore(%run_scoped3A : memref<!tpu.dma_semaphore, #tpu.memory_space<semaphore_mem>>)
        %dma_wait3A_96 = arith.constant 0 : i32
        %dma_wait3A_97 = tpu.memref_slice %arg4[%mul3A_60, %dma_wait3A_96] : memref<92160x128xf32, #tpu.memory_space<hbm>> -> memref<120x128xf32, #tpu.memory_space<hbm>>
        %dma_wait3A_98 = arith.constant 0 : i32
        %dma_wait3A_99 = tpu.memref_slice %arg4[%mul3A_60, %dma_wait3A_98] : memref<92160x128xf32, #tpu.memory_space<hbm>> -> memref<120x128xf32, #tpu.memory_space<hbm>>
        tpu.wait_dma2 semaphore(%run_scoped3A : memref<!tpu.dma_semaphore, #tpu.memory_space<semaphore_mem>>) src(%arg7 : memref<120x128xf32, #tpu.memory_space<vmem>>) dst(%dma_wait3A_99 : memref<120x128xf32, #tpu.memory_space<hbm>>)
        tpu.yield
      }) : () -> ()
      %add3A_61 = arith.constant 0 : i32
      %add3A_62 = arith.addi %add3A_49, %add3A_61 : i32
      %add3A_63 = arith.constant 2 : i32
      %add3A_64 = arith.addi %add3A_62, %add3A_63 : i32
      %dma_start3A_65 = arith.constant 0 : i32
      %dma_start3A_66 = tpu.memref_slice %arg6[%add3A_64, %dma_start3A_65] : memref<24x120xi32, #tpu.memory_space<vmem>> -> memref<1x120xi32, #tpu.memory_space<vmem>>
      %dma_start3A_67 = tpu.memref_squeeze %dma_start3A_66 : memref<1x120xi32, #tpu.memory_space<vmem>> -> memref<120xi32, #tpu.memory_space<vmem>>
      %dma_start3A_68 = arith.constant 0 : i32
      %dma_start3A_69 = arith.constant 0 : i32
      %dma_start3A_70 = tpu.memref_slice %arg5[%dma_start3A_68, %dma_start3A_69] : memref<8192x128xf32, #tpu.memory_space<vmem_shared>> -> memref<8192x128xf32, #tpu.memory_space<vmem_shared>>
      tpu.enqueue_indirect_dma source(%dma_start3A_70 : memref<8192x128xf32, #tpu.memory_space<vmem_shared>>) target(%arg7 : memref<120x128xf32, #tpu.memory_space<vmem>>) offsets(%dma_start3A_67 : memref<120xi32, #tpu.memory_space<vmem>>) semaphore(%arg9 : memref<!tpu.dma_semaphore, #tpu.memory_space<semaphore_mem>>)
      %add3A_71 = arith.constant 1 : i32
      %add3A_72 = arith.addi %add3A_49, %add3A_71 : i32
      %dma_wait3A_73 = arith.constant 0 : i32
      %dma_wait3A_74 = tpu.memref_slice %arg6[%add3A_72, %dma_wait3A_73] : memref<24x120xi32, #tpu.memory_space<vmem>> -> memref<1x120xi32, #tpu.memory_space<vmem>>
      %dma_wait3A_75 = tpu.memref_squeeze %dma_wait3A_74 : memref<1x120xi32, #tpu.memory_space<vmem>> -> memref<120xi32, #tpu.memory_space<vmem>>
      %dma_wait3A_76 = arith.constant 0 : i32
      %dma_wait3A_77 = arith.constant 0 : i32
      %dma_wait3A_78 = tpu.memref_slice %arg5[%dma_wait3A_76, %dma_wait3A_77] : memref<8192x128xf32, #tpu.memory_space<vmem_shared>> -> memref<8192x128xf32, #tpu.memory_space<vmem_shared>>
      tpu.wait_indirect_dma semaphore(%arg10 : memref<!tpu.dma_semaphore, #tpu.memory_space<semaphore_mem>>) src(%dma_wait3A_78 : memref<8192x128xf32, #tpu.memory_space<vmem_shared>>) dst(%arg8 : memref<120x128xf32, #tpu.memory_space<vmem>>)
      %add3A_79 = arith.addi %mul3A_6, %add3A_72 : i32
      %mul3A_80 = arith.constant 120 : i32
      %mul3A_81 = arith.muli %add3A_79, %mul3A_80 : i32
      "tpu.region"() ({
        %run_scoped3A = tpu.sem_alloc : memref<!tpu.dma_semaphore, #tpu.memory_space<semaphore_mem>>
        %dma_start3A_92 = arith.constant 0 : i32
        %dma_start3A_93 = tpu.memref_slice %arg4[%mul3A_81, %dma_start3A_92] : memref<92160x128xf32, #tpu.memory_space<hbm>> -> memref<120x128xf32, #tpu.memory_space<hbm>>
        %dma_start3A_94 = arith.constant 0 : i32
        %dma_start3A_95 = tpu.memref_slice %arg4[%mul3A_81, %dma_start3A_94] : memref<92160x128xf32, #tpu.memory_space<hbm>> -> memref<120x128xf32, #tpu.memory_space<hbm>>
        tpu.enqueue_dma source(%arg8 : memref<120x128xf32, #tpu.memory_space<vmem>>) target(%dma_start3A_95 : memref<120x128xf32, #tpu.memory_space<hbm>>) target_semaphore(%run_scoped3A : memref<!tpu.dma_semaphore, #tpu.memory_space<semaphore_mem>>)
        %dma_wait3A_96 = arith.constant 0 : i32
        %dma_wait3A_97 = tpu.memref_slice %arg4[%mul3A_81, %dma_wait3A_96] : memref<92160x128xf32, #tpu.memory_space<hbm>> -> memref<120x128xf32, #tpu.memory_space<hbm>>
        %dma_wait3A_98 = arith.constant 0 : i32
        %dma_wait3A_99 = tpu.memref_slice %arg4[%mul3A_81, %dma_wait3A_98] : memref<92160x128xf32, #tpu.memory_space<hbm>> -> memref<120x128xf32, #tpu.memory_space<hbm>>
        tpu.wait_dma2 semaphore(%run_scoped3A : memref<!tpu.dma_semaphore, #tpu.memory_space<semaphore_mem>>) src(%arg8 : memref<120x128xf32, #tpu.memory_space<vmem>>) dst(%dma_wait3A_99 : memref<120x128xf32, #tpu.memory_space<hbm>>)
        tpu.yield
      }) : () -> ()
      %add3A_82 = arith.constant 1 : i32
      %add3A_83 = arith.addi %add3A_49, %add3A_82 : i32
      %add3A_84 = arith.constant 2 : i32
      %add3A_85 = arith.addi %add3A_83, %add3A_84 : i32
      %dma_start3A_86 = arith.constant 0 : i32
      %dma_start3A_87 = tpu.memref_slice %arg6[%add3A_85, %dma_start3A_86] : memref<24x120xi32, #tpu.memory_space<vmem>> -> memref<1x120xi32, #tpu.memory_space<vmem>>
      %dma_start3A_88 = tpu.memref_squeeze %dma_start3A_87 : memref<1x120xi32, #tpu.memory_space<vmem>> -> memref<120xi32, #tpu.memory_space<vmem>>
      %dma_start3A_89 = arith.constant 0 : i32
      %dma_start3A_90 = arith.constant 0 : i32
      %dma_start3A_91 = tpu.memref_slice %arg5[%dma_start3A_89, %dma_start3A_90] : memref<8192x128xf32, #tpu.memory_space<vmem_shared>> -> memref<8192x128xf32, #tpu.memory_space<vmem_shared>>
      tpu.enqueue_indirect_dma source(%dma_start3A_91 : memref<8192x128xf32, #tpu.memory_space<vmem_shared>>) target(%arg8 : memref<120x128xf32, #tpu.memory_space<vmem>>) offsets(%dma_start3A_88 : memref<120xi32, #tpu.memory_space<vmem>>) semaphore(%arg10 : memref<!tpu.dma_semaphore, #tpu.memory_space<semaphore_mem>>)
    }
    %scan3A_23 = arith.constant 11 : i32
    %dma_wait3A = arith.constant 22 : i32
    %dma_wait3A_24 = arith.constant 0 : i32
    %dma_wait3A_25 = tpu.memref_slice %arg6[%dma_wait3A, %dma_wait3A_24] : memref<24x120xi32, #tpu.memory_space<vmem>> -> memref<1x120xi32, #tpu.memory_space<vmem>>
    %dma_wait3A_26 = tpu.memref_squeeze %dma_wait3A_25 : memref<1x120xi32, #tpu.memory_space<vmem>> -> memref<120xi32, #tpu.memory_space<vmem>>
    %dma_wait3A_27 = arith.constant 0 : i32
    %dma_wait3A_28 = arith.constant 0 : i32
    %dma_wait3A_29 = tpu.memref_slice %arg5[%dma_wait3A_27, %dma_wait3A_28] : memref<8192x128xf32, #tpu.memory_space<vmem_shared>> -> memref<8192x128xf32, #tpu.memory_space<vmem_shared>>
    tpu.wait_indirect_dma semaphore(%arg9 : memref<!tpu.dma_semaphore, #tpu.memory_space<semaphore_mem>>) src(%dma_wait3A_29 : memref<8192x128xf32, #tpu.memory_space<vmem_shared>>) dst(%arg7 : memref<120x128xf32, #tpu.memory_space<vmem>>)
    %add3A_30 = arith.constant 22 : i32
    %add3A_31 = arith.addi %mul3A_6, %add3A_30 : i32
    %mul3A_32 = arith.constant 120 : i32
    %mul3A_33 = arith.muli %add3A_31, %mul3A_32 : i32
    "tpu.region"() ({
      %run_scoped3A = tpu.sem_alloc : memref<!tpu.dma_semaphore, #tpu.memory_space<semaphore_mem>>
      %dma_start3A_45 = arith.constant 0 : i32
      %dma_start3A_46 = tpu.memref_slice %arg4[%mul3A_33, %dma_start3A_45] : memref<92160x128xf32, #tpu.memory_space<hbm>> -> memref<120x128xf32, #tpu.memory_space<hbm>>
      %dma_start3A_47 = arith.constant 0 : i32
      %dma_start3A_48 = tpu.memref_slice %arg4[%mul3A_33, %dma_start3A_47] : memref<92160x128xf32, #tpu.memory_space<hbm>> -> memref<120x128xf32, #tpu.memory_space<hbm>>
      tpu.enqueue_dma source(%arg7 : memref<120x128xf32, #tpu.memory_space<vmem>>) target(%dma_start3A_48 : memref<120x128xf32, #tpu.memory_space<hbm>>) target_semaphore(%run_scoped3A : memref<!tpu.dma_semaphore, #tpu.memory_space<semaphore_mem>>)
      %dma_wait3A_49 = arith.constant 0 : i32
      %dma_wait3A_50 = tpu.memref_slice %arg4[%mul3A_33, %dma_wait3A_49] : memref<92160x128xf32, #tpu.memory_space<hbm>> -> memref<120x128xf32, #tpu.memory_space<hbm>>
      %dma_wait3A_51 = arith.constant 0 : i32
      %dma_wait3A_52 = tpu.memref_slice %arg4[%mul3A_33, %dma_wait3A_51] : memref<92160x128xf32, #tpu.memory_space<hbm>> -> memref<120x128xf32, #tpu.memory_space<hbm>>
      tpu.wait_dma2 semaphore(%run_scoped3A : memref<!tpu.dma_semaphore, #tpu.memory_space<semaphore_mem>>) src(%arg7 : memref<120x128xf32, #tpu.memory_space<vmem>>) dst(%dma_wait3A_52 : memref<120x128xf32, #tpu.memory_space<hbm>>)
      tpu.yield
    }) : () -> ()
    %dma_wait3A_34 = arith.constant 23 : i32
    %dma_wait3A_35 = arith.constant 0 : i32
    %dma_wait3A_36 = tpu.memref_slice %arg6[%dma_wait3A_34, %dma_wait3A_35] : memref<24x120xi32, #tpu.memory_space<vmem>> -> memref<1x120xi32, #tpu.memory_space<vmem>>
    %dma_wait3A_37 = tpu.memref_squeeze %dma_wait3A_36 : memref<1x120xi32, #tpu.memory_space<vmem>> -> memref<120xi32, #tpu.memory_space<vmem>>
    %dma_wait3A_38 = arith.constant 0 : i32
    %dma_wait3A_39 = arith.constant 0 : i32
    %dma_wait3A_40 = tpu.memref_slice %arg5[%dma_wait3A_38, %dma_wait3A_39] : memref<8192x128xf32, #tpu.memory_space<vmem_shared>> -> memref<8192x128xf32, #tpu.memory_space<vmem_shared>>
    tpu.wait_indirect_dma semaphore(%arg10 : memref<!tpu.dma_semaphore, #tpu.memory_space<semaphore_mem>>) src(%dma_wait3A_40 : memref<8192x128xf32, #tpu.memory_space<vmem_shared>>) dst(%arg8 : memref<120x128xf32, #tpu.memory_space<vmem>>)
    %add3A_41 = arith.constant 23 : i32
    %add3A_42 = arith.addi %mul3A_6, %add3A_41 : i32
    %mul3A_43 = arith.constant 120 : i32
    %mul3A_44 = arith.muli %add3A_42, %mul3A_43 : i32
    "tpu.region"() ({
      %run_scoped3A = tpu.sem_alloc : memref<!tpu.dma_semaphore, #tpu.memory_space<semaphore_mem>>
      %dma_start3A_45 = arith.constant 0 : i32
      %dma_start3A_46 = tpu.memref_slice %arg4[%mul3A_44, %dma_start3A_45] : memref<92160x128xf32, #tpu.memory_space<hbm>> -> memref<120x128xf32, #tpu.memory_space<hbm>>
      %dma_start3A_47 = arith.constant 0 : i32
      %dma_start3A_48 = tpu.memref_slice %arg4[%mul3A_44, %dma_start3A_47] : memref<92160x128xf32, #tpu.memory_space<hbm>> -> memref<120x128xf32, #tpu.memory_space<hbm>>
      tpu.enqueue_dma source(%arg8 : memref<120x128xf32, #tpu.memory_space<vmem>>) target(%dma_start3A_48 : memref<120x128xf32, #tpu.memory_space<hbm>>) target_semaphore(%run_scoped3A : memref<!tpu.dma_semaphore, #tpu.memory_space<semaphore_mem>>)
      %dma_wait3A_49 = arith.constant 0 : i32
      %dma_wait3A_50 = tpu.memref_slice %arg4[%mul3A_44, %dma_wait3A_49] : memref<92160x128xf32, #tpu.memory_space<hbm>> -> memref<120x128xf32, #tpu.memory_space<hbm>>
      %dma_wait3A_51 = arith.constant 0 : i32
      %dma_wait3A_52 = tpu.memref_slice %arg4[%mul3A_44, %dma_wait3A_51] : memref<92160x128xf32, #tpu.memory_space<hbm>> -> memref<120x128xf32, #tpu.memory_space<hbm>>
      tpu.wait_dma2 semaphore(%run_scoped3A : memref<!tpu.dma_semaphore, #tpu.memory_space<semaphore_mem>>) src(%arg8 : memref<120x128xf32, #tpu.memory_space<vmem>>) dst(%dma_wait3A_52 : memref<120x128xf32, #tpu.memory_space<hbm>>)
      tpu.yield
    }) : () -> ()
    return
  }
}

module attributes {stable_mosaic.version = 14 : i64} {
  func.func @_topk_body(%arg0: i32, %arg1: memref<2x8192xf32, #tpu.memory_space<vmem>>, %arg2: memref<512x1xf32, #tpu.memory_space<vmem>>, %arg3: memref<512x1xf32, #tpu.memory_space<vmem>>, %arg4: memref<512x3xi32, #tpu.memory_space<vmem>>) attributes {dimension_semantics = [#tpu.dimension_semantics<arbitrary>], iteration_bounds = array<i64: 60>, scalar_prefetch = 0 : i64, scratch_operands = 0 : i64, tpu.core_type = #tpu.core_type<tc>, window_params = [{pipeline_mode = #tpu.pipeline_mode<synchronous>, transform_indices = @transform_0, window_bounds = array<i64: 2, 8192>}, {transform_indices = @transform_1, window_bounds = array<i64: 512, 1>}, {transform_indices = @transform_2, window_bounds = array<i64: 512, 1>}, {transform_indices = @transform_3, window_bounds = array<i64: 512, 3>}]} {
    %get3A = arith.constant 0 : index
    %get3A_0 = arith.constant 0 : index
    %get3A_1 = vector.load %arg1[%get3A, %get3A_0] : memref<2x8192xf32, #tpu.memory_space<vmem>>, vector<1x8192xf32>
    %get3A_2 = arith.constant 1 : index
    %get3A_3 = arith.constant 0 : index
    %get3A_4 = vector.load %arg1[%get3A_2, %get3A_3] : memref<2x8192xf32, #tpu.memory_space<vmem>>, vector<1x8192xf32>
    %get3A_5 = arith.constant 0 : index
    %get3A_6 = arith.constant 0 : index
    %get3A_7 = vector.load %arg2[%get3A_5, %get3A_6] : memref<512x1xf32, #tpu.memory_space<vmem>>, vector<512x1xf32>
    %get3A_8 = arith.constant 0 : index
    %get3A_9 = arith.constant 0 : index
    %get3A_10 = vector.load %arg3[%get3A_8, %get3A_9] : memref<512x1xf32, #tpu.memory_space<vmem>>, vector<512x1xf32>
    %mul3A = arith.mulf %get3A_7, %get3A_7 : vector<512x1xf32>
    %mul3A_11 = arith.mulf %get3A_10, %get3A_10 : vector<512x1xf32>
    %add3A = arith.addf %mul3A, %mul3A_11 : vector<512x1xf32>
    %mul3A_12 = arith.mulf %get3A_1, %get3A_1 : vector<1x8192xf32>
    %mul3A_13 = arith.mulf %get3A_4, %get3A_4 : vector<1x8192xf32>
    %add3A_14 = arith.addf %mul3A_12, %mul3A_13 : vector<1x8192xf32>
    %concatenate3A = tpu.concatenate %get3A_7, %get3A_10 in 1 : vector<512x1xf32>, vector<512x1xf32> -> vector<512x2xf32>
    %mul3A_15 = arith.constant 2.000000e+00 : f32
    %mul3A_16 = vector.broadcast %mul3A_15 : f32 to vector<512x2xf32>
    %mul3A_17 = arith.mulf %concatenate3A, %mul3A_16 : vector<512x2xf32>
    %convert_element_type3A = arith.truncf %mul3A_17 : vector<512x2xf32> to vector<512x2xbf16>
    %get3A_18 = arith.constant 0 : index
    %get3A_19 = arith.constant 0 : index
    %get3A_20 = vector.load %arg1[%get3A_18, %get3A_19] : memref<2x8192xf32, #tpu.memory_space<vmem>>, vector<2x8192xf32>
    %convert_element_type3A_21 = arith.truncf %get3A_20 : vector<2x8192xf32> to vector<2x8192xbf16>
    %dot_general3A = arith.constant dense<0.000000e+00> : vector<512x8192xf32>
    %dot_general3A_22 = tpu.matmul %convert_element_type3A, %convert_element_type3A_21, %dot_general3A {dimension_numbers = #tpu.dot_dimension_numbers<[1], [0], [0], [1], [0, 0, 1, 1], [], []>, transpose_lhs_hint = false} : vector<512x2xbf16>, vector<2x8192xbf16>, vector<512x8192xf32> -> vector<512x8192xf32>
    %sub3A = vector.broadcast %add3A : vector<512x1xf32> to vector<512x8192xf32>
    %sub3A_23 = arith.subf %sub3A, %dot_general3A_22 : vector<512x8192xf32>
    %add3A_24 = vector.broadcast %add3A_14 : vector<1x8192xf32> to vector<512x8192xf32>
    %add3A_25 = arith.addf %sub3A_23, %add3A_24 : vector<512x8192xf32>
    %iota3A = tpu.iota {dimensions = array<i32: 1>} : vector<512x8192xi32>
    %convert_element_type3A_26 = arith.sitofp %iota3A : vector<512x8192xi32> to vector<512x8192xf32>
    %reduce_min3A = arith.constant dense<0x7F800000> : vector<512xf32>
    %reduce_min3A_27 = vector.multi_reduction <minimumf>, %add3A_25, %reduce_min3A [1] : vector<512x8192xf32> to vector<512xf32>
    %broadcast_in_dim3A = vector.shape_cast %reduce_min3A_27 : vector<512xf32> to vector<512x1xf32>
    %eq3A = vector.broadcast %broadcast_in_dim3A : vector<512x1xf32> to vector<512x8192xf32>
    %eq3A_28 = arith.cmpf oeq, %add3A_25, %eq3A : vector<512x8192xf32>
    %jit3A = arith.constant 8.192000e+03 : f32
    %broadcast_in_dim3A_29 = vector.broadcast %jit3A : f32 to vector<512x8192xf32>
    %select_n3A = arith.select %eq3A_28, %convert_element_type3A_26, %broadcast_in_dim3A_29 : vector<512x8192xi1>, vector<512x8192xf32>
    %reduce_min3A_30 = arith.constant dense<0x7F800000> : vector<512xf32>
    %reduce_min3A_31 = vector.multi_reduction <minimumf>, %select_n3A, %reduce_min3A_30 [1] : vector<512x8192xf32> to vector<512xf32>
    %broadcast_in_dim3A_32 = vector.shape_cast %reduce_min3A_31 : vector<512xf32> to vector<512x1xf32>
    %eq3A_33 = vector.broadcast %broadcast_in_dim3A_32 : vector<512x1xf32> to vector<512x8192xf32>
    %eq3A_34 = arith.cmpf oeq, %convert_element_type3A_26, %eq3A_33 : vector<512x8192xf32>
    %jit3A_35 = arith.constant 0x7F800000 : f32
    %broadcast_in_dim3A_36 = vector.broadcast %jit3A_35 : f32 to vector<512x8192xf32>
    %select_n3A_37 = arith.select %eq3A_34, %broadcast_in_dim3A_36, %add3A_25 : vector<512x8192xi1>, vector<512x8192xf32>
    %reduce_min3A_38 = arith.constant dense<0x7F800000> : vector<512xf32>
    %reduce_min3A_39 = vector.multi_reduction <minimumf>, %select_n3A_37, %reduce_min3A_38 [1] : vector<512x8192xf32> to vector<512xf32>
    %broadcast_in_dim3A_40 = vector.shape_cast %reduce_min3A_39 : vector<512xf32> to vector<512x1xf32>
    %eq3A_41 = vector.broadcast %broadcast_in_dim3A_40 : vector<512x1xf32> to vector<512x8192xf32>
    %eq3A_42 = arith.cmpf oeq, %select_n3A_37, %eq3A_41 : vector<512x8192xf32>
    %jit3A_43 = arith.constant 8.192000e+03 : f32
    %broadcast_in_dim3A_44 = vector.broadcast %jit3A_43 : f32 to vector<512x8192xf32>
    %select_n3A_45 = arith.select %eq3A_42, %convert_element_type3A_26, %broadcast_in_dim3A_44 : vector<512x8192xi1>, vector<512x8192xf32>
    %reduce_min3A_46 = arith.constant dense<0x7F800000> : vector<512xf32>
    %reduce_min3A_47 = vector.multi_reduction <minimumf>, %select_n3A_45, %reduce_min3A_46 [1] : vector<512x8192xf32> to vector<512xf32>
    %broadcast_in_dim3A_48 = vector.shape_cast %reduce_min3A_47 : vector<512xf32> to vector<512x1xf32>
    %eq3A_49 = vector.broadcast %broadcast_in_dim3A_48 : vector<512x1xf32> to vector<512x8192xf32>
    %eq3A_50 = arith.cmpf oeq, %convert_element_type3A_26, %eq3A_49 : vector<512x8192xf32>
    %jit3A_51 = arith.constant 0x7F800000 : f32
    %broadcast_in_dim3A_52 = vector.broadcast %jit3A_51 : f32 to vector<512x8192xf32>
    %select_n3A_53 = arith.select %eq3A_50, %broadcast_in_dim3A_52, %select_n3A_37 : vector<512x8192xi1>, vector<512x8192xf32>
    %reduce_min3A_54 = arith.constant dense<0x7F800000> : vector<512xf32>
    %reduce_min3A_55 = vector.multi_reduction <minimumf>, %select_n3A_53, %reduce_min3A_54 [1] : vector<512x8192xf32> to vector<512xf32>
    %broadcast_in_dim3A_56 = vector.shape_cast %reduce_min3A_55 : vector<512xf32> to vector<512x1xf32>
    %eq3A_57 = vector.broadcast %broadcast_in_dim3A_56 : vector<512x1xf32> to vector<512x8192xf32>
    %eq3A_58 = arith.cmpf oeq, %select_n3A_53, %eq3A_57 : vector<512x8192xf32>
    %jit3A_59 = arith.constant 8.192000e+03 : f32
    %broadcast_in_dim3A_60 = vector.broadcast %jit3A_59 : f32 to vector<512x8192xf32>
    %select_n3A_61 = arith.select %eq3A_58, %convert_element_type3A_26, %broadcast_in_dim3A_60 : vector<512x8192xi1>, vector<512x8192xf32>
    %reduce_min3A_62 = arith.constant dense<0x7F800000> : vector<512xf32>
    %reduce_min3A_63 = vector.multi_reduction <minimumf>, %select_n3A_61, %reduce_min3A_62 [1] : vector<512x8192xf32> to vector<512xf32>
    %broadcast_in_dim3A_64 = vector.shape_cast %reduce_min3A_63 : vector<512xf32> to vector<512x1xf32>
    %concatenate3A_65 = tpu.concatenate %broadcast_in_dim3A_32, %broadcast_in_dim3A_48, %broadcast_in_dim3A_64 in 1 : vector<512x1xf32>, vector<512x1xf32>, vector<512x1xf32> -> vector<512x3xf32>
    %convert_element_type3A_66 = arith.fptosi %concatenate3A_65 : vector<512x3xf32> to vector<512x3xi32>
    %swap3A = arith.constant 0 : index
    %swap3A_67 = arith.constant 0 : index
    %swap3A_68 = vector.load %arg4[%swap3A, %swap3A_67] : memref<512x3xi32, #tpu.memory_space<vmem>>, vector<512x3xi32>
    tpu.vector_store %arg4[%swap3A, %swap3A_67], %convert_element_type3A_66 {strides = array<i32>} : memref<512x3xi32, #tpu.memory_space<vmem>>, vector<512x3xi32>,
    return
  }
  func.func @transform_0(%arg0: i32) -> (i32, i32) {
    %c0_i32 = arith.constant 0 : i32
    %c0_i32_0 = arith.constant 0 : i32
    %c0_i32_1 = arith.constant 0 : i32
    return %c0_i32, %c0_i32_0 : i32, i32
  }
  func.func @transform_1(%arg0: i32) -> (i32, i32) {
    %c0_i32 = arith.constant 0 : i32
    %c0_i32_0 = arith.constant 0 : i32
    return %arg0, %c0_i32 : i32, i32
  }
  func.func @transform_2(%arg0: i32) -> (i32, i32) {
    %c0_i32 = arith.constant 0 : i32
    %c0_i32_0 = arith.constant 0 : i32
    return %arg0, %c0_i32 : i32, i32
  }
  func.func @transform_3(%arg0: i32) -> (i32, i32) {
    %c0_i32 = arith.constant 0 : i32
    %c0_i32_0 = arith.constant 0 : i32
    return %arg0, %c0_i32 : i32, i32
  }
}

module attributes {stable_mosaic.version = 14 : i64} {
  func.func @_mlp_body(%arg0: i32, %arg1: memref<3x1024x128xf32, #tpu.memory_space<vmem>>, %arg2: memref<1024x1xf32, #tpu.memory_space<vmem>>, %arg3: memref<1024x1xf32, #tpu.memory_space<vmem>>, %arg4: memref<3x16xf32, #tpu.memory_space<vmem>>, %arg5: memref<1x16xf32, #tpu.memory_space<vmem>>, %arg6: memref<64x16xf32, #tpu.memory_space<vmem>>, %arg7: memref<1x64xf32, #tpu.memory_space<vmem>>, %arg8: memref<64x64xf32, #tpu.memory_space<vmem>>, %arg9: memref<64x1xf32, #tpu.memory_space<vmem>>, %arg10: memref<64x1024xf32, #tpu.memory_space<vmem>>) attributes {dimension_semantics = [#tpu.dimension_semantics<arbitrary>], iteration_bounds = array<i64: 30>, scalar_prefetch = 0 : i64, scratch_operands = 0 : i64, tpu.core_type = #tpu.core_type<tc>, window_params = [{transform_indices = @transform_0, window_bounds = array<i64: 3, 1024, 128>}, {transform_indices = @transform_1, window_bounds = array<i64: 1024, 1>}, {transform_indices = @transform_2, window_bounds = array<i64: 1024, 1>}, {pipeline_mode = #tpu.pipeline_mode<synchronous>, transform_indices = @transform_3, window_bounds = array<i64: 3, 16>}, {pipeline_mode = #tpu.pipeline_mode<synchronous>, transform_indices = @transform_4, window_bounds = array<i64: 1, 16>}, {pipeline_mode = #tpu.pipeline_mode<synchronous>, transform_indices = @transform_5, window_bounds = array<i64: 64, 16>}, {pipeline_mode = #tpu.pipeline_mode<synchronous>, transform_indices = @transform_6, window_bounds = array<i64: 1, 64>}, {pipeline_mode = #tpu.pipeline_mode<synchronous>, transform_indices = @transform_7, window_bounds = array<i64: 64, 64>}, {pipeline_mode = #tpu.pipeline_mode<synchronous>, transform_indices = @transform_8, window_bounds = array<i64: 64, 1>}, {transform_indices = @transform_9, window_bounds = array<i64: 64, 1024>}]} {
    %get3A = arith.constant 0 : index
    %get3A_0 = arith.constant 0 : index
    %get3A_1 = vector.load %arg2[%get3A, %get3A_0] : memref<1024x1xf32, #tpu.memory_space<vmem>>, vector<1024x1xf32>
    %get3A_2 = arith.constant 0 : index
    %get3A_3 = arith.constant 0 : index
    %get3A_4 = vector.load %arg3[%get3A_2, %get3A_3] : memref<1024x1xf32, #tpu.memory_space<vmem>>, vector<1024x1xf32>
    %get3A_5 = arith.constant 0 : index
    %get3A_6 = arith.constant 0 : index
    %get3A_7 = vector.load %arg4[%get3A_5, %get3A_6] : memref<3x16xf32, #tpu.memory_space<vmem>>, vector<3x16xf32>
    %broadcast_in_dim3A = arith.constant 0.000000e+00 : f32
    %broadcast_in_dim3A_8 = vector.broadcast %broadcast_in_dim3A : f32 to vector<1024x64xf32>
    %get3A_9 = arith.constant 0 : index
    %get3A_10 = arith.constant 0 : index
    %get3A_11 = arith.constant 0 : index
    %get3A_12 = vector.load %arg1[%get3A_9, %get3A_10, %get3A_11] : memref<3x1024x128xf32, #tpu.memory_space<vmem>>, vector<1x1024x128xf32>
    %get3A_13 = vector.shape_cast %get3A_12 : vector<1x1024x128xf32> to vector<1024x128xf32>
    %slice3A = vector.extract_strided_slice %get3A_13 {offsets = [0, 0], sizes = [1024, 64], strides = [1, 1]} : vector<1024x128xf32> to vector<1024x64xf32>
    %slice3A_14 = vector.extract_strided_slice %get3A_13 {offsets = [0, 64], sizes = [1024, 1], strides = [1, 1]} : vector<1024x128xf32> to vector<1024x1xf32>
    %slice3A_15 = vector.extract_strided_slice %get3A_13 {offsets = [0, 65], sizes = [1024, 1], strides = [1, 1]} : vector<1024x128xf32> to vector<1024x1xf32>
    %sub3A = arith.subf %slice3A_14, %get3A_1 : vector<1024x1xf32>
    %sub3A_16 = arith.subf %slice3A_15, %get3A_4 : vector<1024x1xf32>
    %mul3A = arith.mulf %sub3A, %sub3A : vector<1024x1xf32>
    %mul3A_17 = arith.mulf %sub3A_16, %sub3A_16 : vector<1024x1xf32>
    %add3A = arith.addf %mul3A, %mul3A_17 : vector<1024x1xf32>
    %sqrt3A = math.sqrt %add3A : vector<1024x1xf32>
    %slice3A_18 = vector.extract_strided_slice %get3A_7 {offsets = [0, 0], sizes = [1, 16], strides = [1, 1]} : vector<3x16xf32> to vector<1x16xf32>
    %mul3A_19 = vector.broadcast %sub3A : vector<1024x1xf32> to vector<1024x16xf32>
    %mul3A_20 = vector.broadcast %slice3A_18 : vector<1x16xf32> to vector<1024x16xf32>
    %mul3A_21 = arith.mulf %mul3A_19, %mul3A_20 : vector<1024x16xf32>
    %slice3A_22 = vector.extract_strided_slice %get3A_7 {offsets = [1, 0], sizes = [1, 16], strides = [1, 1]} : vector<3x16xf32> to vector<1x16xf32>
    %mul3A_23 = vector.broadcast %sub3A_16 : vector<1024x1xf32> to vector<1024x16xf32>
    %mul3A_24 = vector.broadcast %slice3A_22 : vector<1x16xf32> to vector<1024x16xf32>
    %mul3A_25 = arith.mulf %mul3A_23, %mul3A_24 : vector<1024x16xf32>
    %add3A_26 = arith.addf %mul3A_21, %mul3A_25 : vector<1024x16xf32>
    %slice3A_27 = vector.extract_strided_slice %get3A_7 {offsets = [2, 0], sizes = [1, 16], strides = [1, 1]} : vector<3x16xf32> to vector<1x16xf32>
    %mul3A_28 = vector.broadcast %sqrt3A : vector<1024x1xf32> to vector<1024x16xf32>
    %mul3A_29 = vector.broadcast %slice3A_27 : vector<1x16xf32> to vector<1024x16xf32>
    %mul3A_30 = arith.mulf %mul3A_28, %mul3A_29 : vector<1024x16xf32>
    %add3A_31 = arith.addf %add3A_26, %mul3A_30 : vector<1024x16xf32>
    %get3A_32 = arith.constant 0 : index
    %get3A_33 = arith.constant 0 : index
    %get3A_34 = vector.load %arg5[%get3A_32, %get3A_33] : memref<1x16xf32, #tpu.memory_space<vmem>>, vector<1x16xf32>
    %add3A_35 = vector.broadcast %get3A_34 : vector<1x16xf32> to vector<1024x16xf32>
    %add3A_36 = arith.addf %add3A_31, %add3A_35 : vector<1024x16xf32>
    %ge3A = arith.constant 0.000000e+00 : f32
    %ge3A_37 = vector.broadcast %ge3A : f32 to vector<1024x16xf32>
    %ge3A_38 = arith.cmpf oge, %add3A_36, %ge3A_37 : vector<1024x16xf32>
    %mul3A_39 = arith.constant 1.000000e-01 : f32
    %mul3A_40 = vector.broadcast %mul3A_39 : f32 to vector<1024x16xf32>
    %mul3A_41 = arith.mulf %mul3A_40, %add3A_36 : vector<1024x16xf32>
    %select_n3A = arith.select %ge3A_38, %add3A_36, %mul3A_41 : vector<1024x16xi1>, vector<1024x16xf32>
    %get3A_42 = arith.constant 0 : index
    %get3A_43 = arith.constant 0 : index
    %get3A_44 = vector.load %arg6[%get3A_42, %get3A_43] : memref<64x16xf32, #tpu.memory_space<vmem>>, vector<64x16xf32>
    %dot_general3A = arith.constant dense<0.000000e+00> : vector<1024x64xf32>
    %dot_general3A_45 = tpu.matmul %select_n3A, %get3A_44, %dot_general3A {dimension_numbers = #tpu.dot_dimension_numbers<[1], [1], [0], [0], [0, 0, 1, 0], [], []>, transpose_lhs_hint = false} : vector<1024x16xf32>, vector<64x16xf32>, vector<1024x64xf32> -> vector<1024x64xf32>
    %get3A_46 = arith.constant 0 : index
    %get3A_47 = arith.constant 0 : index
    %get3A_48 = vector.load %arg7[%get3A_46, %get3A_47] : memref<1x64xf32, #tpu.memory_space<vmem>>, vector<1x64xf32>
    %add3A_49 = vector.broadcast %get3A_48 : vector<1x64xf32> to vector<1024x64xf32>
    %add3A_50 = arith.addf %dot_general3A_45, %add3A_49 : vector<1024x64xf32>
    %neg3A = arith.constant 0.000000e+00 : f32
    %neg3A_51 = vector.broadcast %neg3A : f32 to vector<1024x64xf32>
    %neg3A_52 = arith.subf %neg3A_51, %add3A_50 : vector<1024x64xf32>
    %exp3A = math.exp %neg3A_52 : vector<1024x64xf32>
    %add3A_53 = arith.constant 1.000000e+00 : f32
    %add3A_54 = vector.broadcast %add3A_53 : f32 to vector<1024x64xf32>
    %add3A_55 = arith.addf %add3A_54, %exp3A : vector<1024x64xf32>
    %div3A = arith.constant 1.000000e+00 : f32
    %div3A_56 = vector.broadcast %div3A : f32 to vector<1024x64xf32>
    %div3A_57 = arith.divf %div3A_56, %add3A_55 : vector<1024x64xf32>
    %mul3A_58 = arith.mulf %div3A_57, %slice3A : vector<1024x64xf32>
    %add3A_59 = arith.addf %broadcast_in_dim3A_8, %mul3A_58 : vector<1024x64xf32>
    %get3A_60 = arith.constant 1 : index
    %get3A_61 = arith.constant 0 : index
    %get3A_62 = arith.constant 0 : index
    %get3A_63 = vector.load %arg1[%get3A_60, %get3A_61, %get3A_62] : memref<3x1024x128xf32, #tpu.memory_space<vmem>>, vector<1x1024x128xf32>
    %get3A_64 = vector.shape_cast %get3A_63 : vector<1x1024x128xf32> to vector<1024x128xf32>
    %slice3A_65 = vector.extract_strided_slice %get3A_64 {offsets = [0, 0], sizes = [1024, 64], strides = [1, 1]} : vector<1024x128xf32> to vector<1024x64xf32>
    %slice3A_66 = vector.extract_strided_slice %get3A_64 {offsets = [0, 64], sizes = [1024, 1], strides = [1, 1]} : vector<1024x128xf32> to vector<1024x1xf32>
    %slice3A_67 = vector.extract_strided_slice %get3A_64 {offsets = [0, 65], sizes = [1024, 1], strides = [1, 1]} : vector<1024x128xf32> to vector<1024x1xf32>
    %sub3A_68 = arith.subf %slice3A_66, %get3A_1 : vector<1024x1xf32>
    %sub3A_69 = arith.subf %slice3A_67, %get3A_4 : vector<1024x1xf32>
    %mul3A_70 = arith.mulf %sub3A_68, %sub3A_68 : vector<1024x1xf32>
    %mul3A_71 = arith.mulf %sub3A_69, %sub3A_69 : vector<1024x1xf32>
    %add3A_72 = arith.addf %mul3A_70, %mul3A_71 : vector<1024x1xf32>
    %sqrt3A_73 = math.sqrt %add3A_72 : vector<1024x1xf32>
    %slice3A_74 = vector.extract_strided_slice %get3A_7 {offsets = [0, 0], sizes = [1, 16], strides = [1, 1]} : vector<3x16xf32> to vector<1x16xf32>
    %mul3A_75 = vector.broadcast %sub3A_68 : vector<1024x1xf32> to vector<1024x16xf32>
    %mul3A_76 = vector.broadcast %slice3A_74 : vector<1x16xf32> to vector<1024x16xf32>
    %mul3A_77 = arith.mulf %mul3A_75, %mul3A_76 : vector<1024x16xf32>
    %slice3A_78 = vector.extract_strided_slice %get3A_7 {offsets = [1, 0], sizes = [1, 16], strides = [1, 1]} : vector<3x16xf32> to vector<1x16xf32>
    %mul3A_79 = vector.broadcast %sub3A_69 : vector<1024x1xf32> to vector<1024x16xf32>
    %mul3A_80 = vector.broadcast %slice3A_78 : vector<1x16xf32> to vector<1024x16xf32>
    %mul3A_81 = arith.mulf %mul3A_79, %mul3A_80 : vector<1024x16xf32>
    %add3A_82 = arith.addf %mul3A_77, %mul3A_81 : vector<1024x16xf32>
    %slice3A_83 = vector.extract_strided_slice %get3A_7 {offsets = [2, 0], sizes = [1, 16], strides = [1, 1]} : vector<3x16xf32> to vector<1x16xf32>
    %mul3A_84 = vector.broadcast %sqrt3A_73 : vector<1024x1xf32> to vector<1024x16xf32>
    %mul3A_85 = vector.broadcast %slice3A_83 : vector<1x16xf32> to vector<1024x16xf32>
    %mul3A_86 = arith.mulf %mul3A_84, %mul3A_85 : vector<1024x16xf32>
    %add3A_87 = arith.addf %add3A_82, %mul3A_86 : vector<1024x16xf32>
    %get3A_88 = arith.constant 0 : index
    %get3A_89 = arith.constant 0 : index
    %get3A_90 = vector.load %arg5[%get3A_88, %get3A_89] : memref<1x16xf32, #tpu.memory_space<vmem>>, vector<1x16xf32>
    %add3A_91 = vector.broadcast %get3A_90 : vector<1x16xf32> to vector<1024x16xf32>
    %add3A_92 = arith.addf %add3A_87, %add3A_91 : vector<1024x16xf32>
    %ge3A_93 = arith.constant 0.000000e+00 : f32
    %ge3A_94 = vector.broadcast %ge3A_93 : f32 to vector<1024x16xf32>
    %ge3A_95 = arith.cmpf oge, %add3A_92, %ge3A_94 : vector<1024x16xf32>
    %mul3A_96 = arith.constant 1.000000e-01 : f32
    %mul3A_97 = vector.broadcast %mul3A_96 : f32 to vector<1024x16xf32>
    %mul3A_98 = arith.mulf %mul3A_97, %add3A_92 : vector<1024x16xf32>
    %select_n3A_99 = arith.select %ge3A_95, %add3A_92, %mul3A_98 : vector<1024x16xi1>, vector<1024x16xf32>
    %get3A_100 = arith.constant 0 : index
    %get3A_101 = arith.constant 0 : index
    %get3A_102 = vector.load %arg6[%get3A_100, %get3A_101] : memref<64x16xf32, #tpu.memory_space<vmem>>, vector<64x16xf32>
    %dot_general3A_103 = arith.constant dense<0.000000e+00> : vector<1024x64xf32>
    %dot_general3A_104 = tpu.matmul %select_n3A_99, %get3A_102, %dot_general3A_103 {dimension_numbers = #tpu.dot_dimension_numbers<[1], [1], [0], [0], [0, 0, 1, 0], [], []>, transpose_lhs_hint = false} : vector<1024x16xf32>, vector<64x16xf32>, vector<1024x64xf32> -> vector<1024x64xf32>
    %get3A_105 = arith.constant 0 : index
    %get3A_106 = arith.constant 0 : index
    %get3A_107 = vector.load %arg7[%get3A_105, %get3A_106] : memref<1x64xf32, #tpu.memory_space<vmem>>, vector<1x64xf32>
    %add3A_108 = vector.broadcast %get3A_107 : vector<1x64xf32> to vector<1024x64xf32>
    %add3A_109 = arith.addf %dot_general3A_104, %add3A_108 : vector<1024x64xf32>
    %neg3A_110 = arith.constant 0.000000e+00 : f32
    %neg3A_111 = vector.broadcast %neg3A_110 : f32 to vector<1024x64xf32>
    %neg3A_112 = arith.subf %neg3A_111, %add3A_109 : vector<1024x64xf32>
    %exp3A_113 = math.exp %neg3A_112 : vector<1024x64xf32>
    %add3A_114 = arith.constant 1.000000e+00 : f32
    %add3A_115 = vector.broadcast %add3A_114 : f32 to vector<1024x64xf32>
    %add3A_116 = arith.addf %add3A_115, %exp3A_113 : vector<1024x64xf32>
    %div3A_117 = arith.constant 1.000000e+00 : f32
    %div3A_118 = vector.broadcast %div3A_117 : f32 to vector<1024x64xf32>
    %div3A_119 = arith.divf %div3A_118, %add3A_116 : vector<1024x64xf32>
    %mul3A_120 = arith.mulf %div3A_119, %slice3A_65 : vector<1024x64xf32>
    %add3A_121 = arith.addf %add3A_59, %mul3A_120 : vector<1024x64xf32>
    %get3A_122 = arith.constant 2 : index
    %get3A_123 = arith.constant 0 : index
    %get3A_124 = arith.constant 0 : index
    %get3A_125 = vector.load %arg1[%get3A_122, %get3A_123, %get3A_124] : memref<3x1024x128xf32, #tpu.memory_space<vmem>>, vector<1x1024x128xf32>
    %get3A_126 = vector.shape_cast %get3A_125 : vector<1x1024x128xf32> to vector<1024x128xf32>
    %slice3A_127 = vector.extract_strided_slice %get3A_126 {offsets = [0, 0], sizes = [1024, 64], strides = [1, 1]} : vector<1024x128xf32> to vector<1024x64xf32>
    %slice3A_128 = vector.extract_strided_slice %get3A_126 {offsets = [0, 64], sizes = [1024, 1], strides = [1, 1]} : vector<1024x128xf32> to vector<1024x1xf32>
    %slice3A_129 = vector.extract_strided_slice %get3A_126 {offsets = [0, 65], sizes = [1024, 1], strides = [1, 1]} : vector<1024x128xf32> to vector<1024x1xf32>
    %sub3A_130 = arith.subf %slice3A_128, %get3A_1 : vector<1024x1xf32>
    %sub3A_131 = arith.subf %slice3A_129, %get3A_4 : vector<1024x1xf32>
    %mul3A_132 = arith.mulf %sub3A_130, %sub3A_130 : vector<1024x1xf32>
    %mul3A_133 = arith.mulf %sub3A_131, %sub3A_131 : vector<1024x1xf32>
    %add3A_134 = arith.addf %mul3A_132, %mul3A_133 : vector<1024x1xf32>
    %sqrt3A_135 = math.sqrt %add3A_134 : vector<1024x1xf32>
    %slice3A_136 = vector.extract_strided_slice %get3A_7 {offsets = [0, 0], sizes = [1, 16], strides = [1, 1]} : vector<3x16xf32> to vector<1x16xf32>
    %mul3A_137 = vector.broadcast %sub3A_130 : vector<1024x1xf32> to vector<1024x16xf32>
    %mul3A_138 = vector.broadcast %slice3A_136 : vector<1x16xf32> to vector<1024x16xf32>
    %mul3A_139 = arith.mulf %mul3A_137, %mul3A_138 : vector<1024x16xf32>
    %slice3A_140 = vector.extract_strided_slice %get3A_7 {offsets = [1, 0], sizes = [1, 16], strides = [1, 1]} : vector<3x16xf32> to vector<1x16xf32>
    %mul3A_141 = vector.broadcast %sub3A_131 : vector<1024x1xf32> to vector<1024x16xf32>
    %mul3A_142 = vector.broadcast %slice3A_140 : vector<1x16xf32> to vector<1024x16xf32>
    %mul3A_143 = arith.mulf %mul3A_141, %mul3A_142 : vector<1024x16xf32>
    %add3A_144 = arith.addf %mul3A_139, %mul3A_143 : vector<1024x16xf32>
    %slice3A_145 = vector.extract_strided_slice %get3A_7 {offsets = [2, 0], sizes = [1, 16], strides = [1, 1]} : vector<3x16xf32> to vector<1x16xf32>
    %mul3A_146 = vector.broadcast %sqrt3A_135 : vector<1024x1xf32> to vector<1024x16xf32>
    %mul3A_147 = vector.broadcast %slice3A_145 : vector<1x16xf32> to vector<1024x16xf32>
    %mul3A_148 = arith.mulf %mul3A_146, %mul3A_147 : vector<1024x16xf32>
    %add3A_149 = arith.addf %add3A_144, %mul3A_148 : vector<1024x16xf32>
    %get3A_150 = arith.constant 0 : index
    %get3A_151 = arith.constant 0 : index
    %get3A_152 = vector.load %arg5[%get3A_150, %get3A_151] : memref<1x16xf32, #tpu.memory_space<vmem>>, vector<1x16xf32>
    %add3A_153 = vector.broadcast %get3A_152 : vector<1x16xf32> to vector<1024x16xf32>
    %add3A_154 = arith.addf %add3A_149, %add3A_153 : vector<1024x16xf32>
    %ge3A_155 = arith.constant 0.000000e+00 : f32
    %ge3A_156 = vector.broadcast %ge3A_155 : f32 to vector<1024x16xf32>
    %ge3A_157 = arith.cmpf oge, %add3A_154, %ge3A_156 : vector<1024x16xf32>
    %mul3A_158 = arith.constant 1.000000e-01 : f32
    %mul3A_159 = vector.broadcast %mul3A_158 : f32 to vector<1024x16xf32>
    %mul3A_160 = arith.mulf %mul3A_159, %add3A_154 : vector<1024x16xf32>
    %select_n3A_161 = arith.select %ge3A_157, %add3A_154, %mul3A_160 : vector<1024x16xi1>, vector<1024x16xf32>
    %get3A_162 = arith.constant 0 : index
    %get3A_163 = arith.constant 0 : index
    %get3A_164 = vector.load %arg6[%get3A_162, %get3A_163] : memref<64x16xf32, #tpu.memory_space<vmem>>, vector<64x16xf32>
    %dot_general3A_165 = arith.constant dense<0.000000e+00> : vector<1024x64xf32>
    %dot_general3A_166 = tpu.matmul %select_n3A_161, %get3A_164, %dot_general3A_165 {dimension_numbers = #tpu.dot_dimension_numbers<[1], [1], [0], [0], [0, 0, 1, 0], [], []>, transpose_lhs_hint = false} : vector<1024x16xf32>, vector<64x16xf32>, vector<1024x64xf32> -> vector<1024x64xf32>
    %get3A_167 = arith.constant 0 : index
    %get3A_168 = arith.constant 0 : index
    %get3A_169 = vector.load %arg7[%get3A_167, %get3A_168] : memref<1x64xf32, #tpu.memory_space<vmem>>, vector<1x64xf32>
    %add3A_170 = vector.broadcast %get3A_169 : vector<1x64xf32> to vector<1024x64xf32>
    %add3A_171 = arith.addf %dot_general3A_166, %add3A_170 : vector<1024x64xf32>
    %neg3A_172 = arith.constant 0.000000e+00 : f32
    %neg3A_173 = vector.broadcast %neg3A_172 : f32 to vector<1024x64xf32>
    %neg3A_174 = arith.subf %neg3A_173, %add3A_171 : vector<1024x64xf32>
    %exp3A_175 = math.exp %neg3A_174 : vector<1024x64xf32>
    %add3A_176 = arith.constant 1.000000e+00 : f32
    %add3A_177 = vector.broadcast %add3A_176 : f32 to vector<1024x64xf32>
    %add3A_178 = arith.addf %add3A_177, %exp3A_175 : vector<1024x64xf32>
    %div3A_179 = arith.constant 1.000000e+00 : f32
    %div3A_180 = vector.broadcast %div3A_179 : f32 to vector<1024x64xf32>
    %div3A_181 = arith.divf %div3A_180, %add3A_178 : vector<1024x64xf32>
    %mul3A_182 = arith.mulf %div3A_181, %slice3A_127 : vector<1024x64xf32>
    %add3A_183 = arith.addf %add3A_121, %mul3A_182 : vector<1024x64xf32>
    %get3A_184 = arith.constant 0 : index
    %get3A_185 = arith.constant 0 : index
    %get3A_186 = vector.load %arg8[%get3A_184, %get3A_185] : memref<64x64xf32, #tpu.memory_space<vmem>>, vector<64x64xf32>
    %dot_general3A_187 = arith.constant dense<0.000000e+00> : vector<64x1024xf32>
    %dot_general3A_188 = tpu.matmul %get3A_186, %add3A_183, %dot_general3A_187 {dimension_numbers = #tpu.dot_dimension_numbers<[1], [1], [0], [0], [0, 0, 1, 0], [], []>, transpose_lhs_hint = false} : vector<64x64xf32>, vector<1024x64xf32>, vector<64x1024xf32> -> vector<64x1024xf32>
    %get3A_189 = arith.constant 0 : index
    %get3A_190 = arith.constant 0 : index
    %get3A_191 = vector.load %arg9[%get3A_189, %get3A_190] : memref<64x1xf32, #tpu.memory_space<vmem>>, vector<64x1xf32>
    %add3A_192 = vector.broadcast %get3A_191 : vector<64x1xf32> to vector<64x1024xf32>
    %add3A_193 = arith.addf %dot_general3A_188, %add3A_192 : vector<64x1024xf32>
    %ge3A_194 = arith.constant 0.000000e+00 : f32
    %ge3A_195 = vector.broadcast %ge3A_194 : f32 to vector<64x1024xf32>
    %ge3A_196 = arith.cmpf oge, %add3A_193, %ge3A_195 : vector<64x1024xf32>
    %mul3A_197 = arith.constant 1.000000e-01 : f32
    %mul3A_198 = vector.broadcast %mul3A_197 : f32 to vector<64x1024xf32>
    %mul3A_199 = arith.mulf %mul3A_198, %add3A_193 : vector<64x1024xf32>
    %select_n3A_200 = arith.select %ge3A_196, %add3A_193, %mul3A_199 : vector<64x1024xi1>, vector<64x1024xf32>
    %swap3A = arith.constant 0 : index
    %swap3A_201 = arith.constant 0 : index
    %swap3A_202 = vector.load %arg10[%swap3A, %swap3A_201] : memref<64x1024xf32, #tpu.memory_space<vmem>>, vector<64x1024xf32>
    tpu.vector_store %arg10[%swap3A, %swap3A_201], %select_n3A_200 {strides = array<i32>} : memref<64x1024xf32, #tpu.memory_space<vmem>>, vector<64x1024xf32>,
    return
  }
  func.func @transform_0(%arg0: i32) -> (i32, i32, i32) {
    %c0_i32 = arith.constant 0 : i32
    %c0_i32_0 = arith.constant 0 : i32
    %c0_i32_1 = arith.constant 0 : i32
    return %c0_i32, %arg0, %c0_i32_0 : i32, i32, i32
  }
  func.func @transform_1(%arg0: i32) -> (i32, i32) {
    %c0_i32 = arith.constant 0 : i32
    %c0_i32_0 = arith.constant 0 : i32
    return %arg0, %c0_i32 : i32, i32
  }
  func.func @transform_2(%arg0: i32) -> (i32, i32) {
    %c0_i32 = arith.constant 0 : i32
    %c0_i32_0 = arith.constant 0 : i32
    return %arg0, %c0_i32 : i32, i32
  }
  func.func @transform_3(%arg0: i32) -> (i32, i32) {
    %c0_i32 = arith.constant 0 : i32
    %c0_i32_0 = arith.constant 0 : i32
    %c0_i32_1 = arith.constant 0 : i32
    return %c0_i32, %c0_i32_0 : i32, i32
  }
  func.func @transform_4(%arg0: i32) -> (i32, i32) {
    %c0_i32 = arith.constant 0 : i32
    %c0_i32_0 = arith.constant 0 : i32
    %c0_i32_1 = arith.constant 0 : i32
    return %c0_i32, %c0_i32_0 : i32, i32
  }
  func.func @transform_5(%arg0: i32) -> (i32, i32) {
    %c0_i32 = arith.constant 0 : i32
    %c0_i32_0 = arith.constant 0 : i32
    %c0_i32_1 = arith.constant 0 : i32
    return %c0_i32, %c0_i32_0 : i32, i32
  }
  func.func @transform_6(%arg0: i32) -> (i32, i32) {
    %c0_i32 = arith.constant 0 : i32
    %c0_i32_0 = arith.constant 0 : i32
    %c0_i32_1 = arith.constant 0 : i32
    return %c0_i32, %c0_i32_0 : i32, i32
  }
  func.func @transform_7(%arg0: i32) -> (i32, i32) {
    %c0_i32 = arith.constant 0 : i32
    %c0_i32_0 = arith.constant 0 : i32
    %c0_i32_1 = arith.constant 0 : i32
    return %c0_i32, %c0_i32_0 : i32, i32
  }
  func.func @transform_8(%arg0: i32) -> (i32, i32) {
    %c0_i32 = arith.constant 0 : i32
    %c0_i32_0 = arith.constant 0 : i32
    %c0_i32_1 = arith.constant 0 : i32
    return %c0_i32, %c0_i32_0 : i32, i32
  }
  func.func @transform_9(%arg0: i32) -> (i32, i32) {
    %c0_i32 = arith.constant 0 : i32
    %c0_i32_0 = arith.constant 0 : i32
    return %c0_i32, %arg0 : i32, i32
  }
}

</mosaic_0001>

<sc_bundles>
// kernel: kernel.11.cloned.1.call-start
scs
__scs_entry_jumppad:
0x0: {  	(pc) =	sbr.rel $0x88, $3  }
0x1: {  	(tag) =	ssettag $0x0;
	lr =	simm.s32 $0x1  }
0x2: {  	[smem:$0x3F99] =	sst lr;
	_ =	strace $0xD0000000  }
0x3: {  	_ = 	snop  }
0x4: {  	_ = 	snop  }
0x5: {  	_ = 	snop  }
0x6: {  	_ = 	snop  }
0x7: {  	_ = 	snop  }
__scs_overlays_trampoline_lowered:
0x8: {  	[smem:$0x3FA8] =	sst s0  }
0x9: {  	[smem:$0x3FA9] =	sst s1  }
0xa: {  	[smem:$0x3FAA] =	sst s2  }
0xb: {  	[smem:$0x3FAB] =	sst s3  }
0xc: {  	[smem:$0x3FAC] =	sst s4  }
0xd: {  	[smem:$0x3FAD] =	sst s5  }
0xe: {  	[smem:$0x3FAE] =	sst s6  }
0xf: {  	[smem:$0x3FAF] =	sst s7  }
0x10: {  	[smem:$0x3FB0] =	sst s8  }
0x11: {  	[smem:$0x3FB1] =	sst s9;
	s0 =	simm.s32 @!p0 $0x0  }
0x12: {  	s1 =	sld [smem:$0x3F97];
	s0 =	simm.s32 @p0 $0x1  }
0x13: {  	[smem:$0x3FB2] =	sst s0;
	s0 =	simm.s32 @!p1 $0x0  }
0x14: {  	s2 =	sld [smem:$0x3F96];
	s0 =	simm.s32 @p1 $0x1  }
0x15: {  	[smem:$0x3FB3] =	sst s0;
	s0 =	simm.s32 @!p2 $0x0  }
0x16: {  	s3 =	sld [smem:$0x3FDB];
	s0 =	simm.s32 @p2 $0x1  }
0x17: {  	s4 =	simm.s32 $0x1BF5;
	[smem:$0x3FB5] =	sst s0  }
0x18: {  	s0 =	sld [smem:$0x3F98];
	_ =	swait.ge [sflag:s4], $0x0  }
0x19: {  	s7 =	sld [smem:$0x3F99]  }
0x1a: {  	s8 =	sadd.s32 $0xFFFFE003, lr  }
0x1b: {  	s9 =	sadd.s32 $0xFFFFFEF7, lr;
	s5 =	simm.s32 $0xFFFFFFFF;
	p2 =	slt.u32 s8, $0xFFFFF086  }
0x1c: {  	p1 =	slt.u32 s9, $0xF7A;
	s5 =	simm.s32 @!p2 $0x0  }
0x1d: {  	s5 =	simm.s32 @p1 $0x1;
	p0 =	seq.s32 s7, s2  }
0x1e: {  	s7 =	smul.u32 @!p0 $0xF7A, s2;
	p2 =	seq.s32 @!p0 s5, $0x0  }
0x1f: {  	s9 =	smul.u32 $0xF7A, s1;
	s8 =	simm.s32 @!p0 $0x1BF5;
	p2 =	por !p2, p0  }
0x20: {  	[sflag:s8] =	ssyncset.s32 @!p0 $0xFFFFF086;
	s6 =	sadd.s32 @!p0 s3, s7;
	s7 =	simm.s32 @!p0 $0x108  }
0x21: {  	s3 =	sadd.s32 s3, s9;
	s6 =	sadd.s32 @!p0 $0x88, s6;
	s7 =	simm.s32 @p2 $0x1082  }
0x22: {  	[simem:s7], [sflag:s8] =	dma.local @!p0 [hbm:s6], $0xF7A  }
0x23: {  	s9 =	sor.u32 $0xD0000000, s2;
	s6 =	simm.s32 $0x108;
	_ =	swait.ge @!p0 [sflag:s8], $0x0  }
0x24: {  	s3 =	sadd.s32 $0x88, s3;
	s6 =	simm.s32 @!p1 $0x1082;
	[sflag:s4] =	ssyncset.s32 $0xFFFFF086  }
0x25: {  	[simem:s6], [sflag:s4] =	dma.local [hbm:s3], $0xF7A  }
0x26: {  	[smem:$0x3F99] =	sst s1;
	(tag) =	ssettag s2;
	_ =	strace s9  }
0x27: {  	s1 =	sld [smem:$0x3FA9]  }
0x28: {  	s2 =	sld [smem:$0x3FAA]  }
0x29: {  	s4 =	sld [smem:$0x3FAC]  }
0x2a: {  	p0 =	seq.s32 s5, $0x0;
	s5 =	sld [smem:$0x3FAD]  }
0x2b: {  	s6 =	sld [smem:$0x3FAE]  }
0x2c: {  	s7 =	sld [smem:$0x3FAF]  }
0x2d: {  	s3 =	simm.s32 $0x108;
	s8 =	sld [smem:$0x3FB0]  }
0x2e: {  	s3 =	simm.s32 @!p0 $0x1082;
	s9 =	sld [smem:$0x3FB1]  }
0x2f: {  	lr =	sadd.s32 s0, s3;
	s0 =	sld [smem:$0x3FA8]  }
0x30: {  	s3 =	sld [smem:$0x3FAB]  }
0x31: {  	[smem:$0x3FB4] =	sst s10  }
0x32: {  	s10 =	sld [smem:$0x3FB2];
	_ =	sdelay $0x3  }
0x33: {  	p0 =	seq.s32 s10, $0x1;
	s10 =	sld [smem:$0x3FB4];
	_ =	sdelay $0x3  }
0x34: {  	[smem:$0x3FB4] =	sst s10  }
0x35: {  	s10 =	sld [smem:$0x3FB3];
	_ =	sdelay $0x3  }
0x36: {  	p1 =	seq.s32 s10, $0x1;
	s10 =	sld [smem:$0x3FB4];
	_ =	sdelay $0x3  }
0x37: {  	[smem:$0x3FB4] =	sst s10  }
0x38: {  	s10 =	sld [smem:$0x3FB5]  }
0x39: {  	_ = 	snop;
	(pc) =	sbr.ind lr, $3  }
0x3a: {  	_ = 	snop  }
0x3b: {  	_ = 	snop  }
0x3c: {  	p2 =	seq.s32 s10, $0x1;
	s10 =	sld [smem:$0x3FB4]  }
0x3d: {  	_ =	shalt  }
0x3e: {  	_ =	shalt  }
0x3f: {  	_ =	shalt  }
0x40: {  	_ =	shalt  }
0x41: {  	_ =	shalt  }
0x42: {  	_ =	shalt  }
0x43: {  	_ =	shalt  }
0x44: {  	_ =	shalt  }
0x45: {  	_ =	shalt  }
0x46: {  	_ =	shalt  }
0x47: {  	_ =	shalt  }
0x48: {  	_ =	shalt  }
0x49: {  	_ =	shalt  }
0x4a: {  	_ =	shalt  }
0x4b: {  	_ =	shalt  }
0x4c: {  	_ =	shalt  }
0x4d: {  	_ =	shalt  }
0x4e: {  	_ =	shalt  }
0x4f: {  	_ =	shalt  }
0x50: {  	_ =	shalt  }
0x51: {  	_ =	shalt  }
0x52: {  	_ =	shalt  }
0x53: {  	_ =	shalt  }
0x54: {  	_ =	shalt  }
0x55: {  	_ =	shalt  }
0x56: {  	_ =	shalt  }
0x57: {  	_ =	shalt  }
0x58: {  	_ =	shalt  }
0x59: {  	_ =	shalt  }
0x5a: {  	_ =	shalt  }
0x5b: {  	_ =	shalt  }
0x5c: {  	_ =	shalt  }
0x5d: {  	_ =	shalt  }
0x5e: {  	_ =	shalt  }
0x5f: {  	_ =	shalt  }
0x60: {  	_ =	shalt  }
0x61: {  	_ =	shalt  }
0x62: {  	_ =	shalt  }
0x63: {  	_ =	shalt  }
0x64: {  	_ =	shalt  }
0x65: {  	_ =	shalt  }
0x66: {  	_ =	shalt  }
0x67: {  	_ =	shalt  }
0x68: {  	_ =	shalt  }
0x69: {  	_ =	shalt  }
0x6a: {  	_ =	shalt  }
0x6b: {  	_ =	shalt  }
0x6c: {  	_ =	shalt  }
0x6d: {  	_ =	shalt  }
0x6e: {  	_ =	shalt  }
0x6f: {  	_ =	shalt  }
0x70: {  	_ =	shalt  }
0x71: {  	_ =	shalt  }
0x72: {  	_ =	shalt  }
0x73: {  	_ =	shalt  }
0x74: {  	_ =	shalt  }
0x75: {  	_ =	shalt  }
0x76: {  	_ =	shalt  }
0x77: {  	_ =	shalt  }
0x78: {  	_ =	shalt  }
0x79: {  	_ =	shalt  }
0x7a: {  	_ =	shalt  }
0x7b: {  	_ =	shalt  }
0x7c: {  	_ =	shalt  }
0x7d: {  	_ =	shalt  }
0x7e: {  	_ =	shalt  }
0x7f: {  	_ =	shalt  }
0x80: {  	_ =	shalt  }
0x81: {  	_ =	shalt  }
0x82: {  	_ =	shalt  }
0x83: {  	_ =	shalt  }
0x84: {  	_ =	shalt  }
0x85: {  	_ =	shalt  }
0x86: {  	_ =	shalt  }
0x87: {  	_ =	shalt  }
.Lfunc_end0:
.L_simem_size_0:
called_computation.1_lowered:
.L_overlay_start_0:
0x88: {  	s2 =	sld [smem:$0x3FD9]  }
0x89: {  	s3 =	sld [smem:$0x3FFE];
	_ =	sdelay $0x1  }
0x8a: {  	s1 =	srdreg.scid  }
0x8b: {  	s0 =	sand.u32 $0x1, s1  }
0x8c: {  	s17 =	sshll.u32 s0, $0xA;
	s2 =	sadd.s32 s3, s2  }
0x8d: {  	s2 =	sadd.s32 s2, s17  }
0x8e: {  	[smem:$0x3FC0] =	sst s2  }
0x8f: {  	_ = 	snop  }
0x90: {  	(tm) =	ssettm $0x1  }
0x91: {  	s18 =	sld [smem:$0x3FFB];
	_ =	sdelay $0x3  }
0x92: {  	_ =	strace s18  }
0x93: {  	s2 =	sld [smem:$0x3FFC];
	_ =	sdelay $0x3  }
0x94: {  	_ =	strace s2  }
0x95: {  	s2 =	sld [smem:$0x3FFD];
	_ =	sdelay $0x3  }
0x96: {  	_ =	strace s2  }
0x97: {  	_ =	strace $0x8FFFFFFF  }
0x98: {  	s19 =	sld [smem:$0x3FDB];
	_ =	sdelay $0x1  }
0x99: {  	s20 =	simm.s32 $_scs_section_size  }
0x9a: {  	s4 =	simm.s32 $_size__tile_overlayer_lowered;
	s5 =	simm.s32 $_tile_overlayer_lowered  }
0x9b: {  	s6 =	simm.s32 $0x1BFF;
	s21 =	sshll.u32 s5, $0x1;
	s3 =	sadd.s32 s20, s19  }
0x9c: {  	s22 =	simm.s32 $0x0;
	s4 =	sshll.u32 s4, $0x1;
	s5 =	sadd.s32 s21, s3  }
0x9d: {  	[timem:s22], [sflag:s6] =	dma.local [hbm:s5], s4  }
0x9e: {  	_ =	swait.ge [sflag:s6], s4  }
0x9f: {  	s4 =	ssub.s32 $0x0, s4;
	[sflag:s6] =	ssyncset.done $0x0  }
0xa0: {  	[sflag:s6] =	ssyncadd.s32 s4;
	_ =	sdelay $0x1  }
0xa1: {  	s23 =	simm.s32 $0x1B8B  }
0xa2: {  	_ =	swait.ge [sflag:s23], $0x1  }
0xa3: {  	[sflag:s23] =	ssyncset.done $0x0  }
0xa4: {  	[sflag:s23] =	ssyncadd.s32 $0xFFFFFFFF  }
0xa5: {  	s4 =	sld [smem:$0x0]  }
0xa6: {  	s5 =	sand.u32 $0xFFFFFFFE, s1  }
0xa7: {  	p0 =	sne.s32 s1, s5  }
0xa8: {  	s5 =	sshll.u32 @p0 s5, $0xE  }
0xa9: {  	s5 =	sadd.s32 @p0 $0x11B8D, s5;
	s6 =	sshll.u32 @p0 s4, $0x11  }
0xaa: {  	s5 =	sor.u32 @p0 s6, s5  }
0xab: {  	[sflag:s5] =	ssyncadd.remote.s32 @p0 $0x1;
	_ =	sdelay $0x1  }
0xac: {  	s5 =	simm.s32 @p0 $0x1B8D  }
0xad: {  	_ =	swait.eq @p0 [sflag:s5], $0x1  }
0xae: {  	[sflag:s5] =	ssyncadd.s32 @p0 $0xFFFFFFFF  }
0xaf: {  	s6 =	sshll.u32 @!p0 s1, $0xE  }
0xb0: {  	s6 =	sor.u32 @!p0 $0x4000, s6;
	s5 =	simm.s32 @!p0 $0x1B8D  }
0xb1: {  	s4 =	sshll.u32 @!p0 s4, $0x11;
	s6 =	sadd.s32 @!p0 $0x11B8D, s6;
	_ =	swait.eq @!p0 [sflag:s5], $0x1  }
0xb2: {  	s4 =	sor.u32 @!p0 s4, s6;
	[sflag:s5] =	ssyncadd.s32 @!p0 $0xFFFFFFFF  }
0xb3: {  	s25 =	simm.s32 $0x1B8E;
	s24 =	sld [smem:$0x3FFE];
	[sflag:s4] =	ssyncadd.remote.s32 @!p0 $0x1  }
0xb4: {  	s26 =	simm.s32 $execute0_lowered;
	[smem:$0x3FD2] =	sst s25  }
0xb5: {  	s5 =	sshll.u32 s26, $0x1;
	_ =	strace $0x80000049;
	[dreg:$0x1] =	wrdreg $0xFFFFFFFF  }
0xb6: {  	s28 =	simm.s32 $_size_execute0_lowered;
	s3 =	sadd.s32 s3, s5;
	[dreg:$0x0] =	wrdreg $0x0  }
0xb7: {  	s5 =	sshll.u32 s28, $0x1;
	[dreg:$0x2] =	wrdreg s3  }
0xb8: {  	[dreg:$0x3] =	wrdreg s5  }
0xb9: {  	[dreg:$0x4] =	wrdreg $0xC0  }
0xba: {  	_ =	task [dreg:s22], $0x5FFFF  }
0xbb: {  	[dreg:$0x1] =	wrdreg $0xFFFFFFFF  }
0xbc: {  	[dreg:$0x0] =	wrdreg $0x60  }
0xbd: {  	[dreg:$0x2] =	wrdreg s24  }
0xbe: {  	[dreg:$0x3] =	wrdreg $0x0  }
0xbf: {  	[dreg:$0x4] =	wrdreg $0xA  }
0xc0: {  	_ =	task.clear_ibuf [dreg:s22], $0x5FFFF;
	_ =	strace $0x90000049  }
0xc1: {  	s29 =	simm.s32 $0xA;
	_ =	strace $0x8000004B  }
0xc2: {  	_ =	swait.ge [sflag:s29], $0x1  }
0xc3: {  	[sflag:s29] =	ssyncadd.s32 $0xFFFFFFFF  }
0xc4: {  	_ =	strace $0x9000004B  }
0xc5: {  	_ =	sfence  }
0xc6: {  	s30 =	sld [smem:$0x0];
	_ =	sdelay $0x2  }
0xc7: {  	s31 =	sshll.u32 s1, $0xD;
	s1 =	sshrl.u32 s1, $0x2  }
0xc8: {  	s4 =	sand.u32 $0x4000, s31;
	s1 =	sadd.s32 s1, s30  }
0xc9: {  	s0 =	sor.u32 s4, s0;
	s1 =	sshll.u32 s1, $0x11  }
0xca: {  	s0 =	sor.u32 s1, s0  }
0xcb: {  	s0 =	sadd.s32 $0x8F2B, s0  }
0xcc: {  	[sflag:s0] =	ssyncadd.remote.s32 $0x1  }
0xcd: {  	_ =	sfence.sel $0xFFFF  }
0xce: {  	[dreg:$0x0] =	wrdreg $0xFFFFFFFF;
	(pc) =	sbr.abs _section_cstart, $3  }
0xcf: {  	[dreg:$0x1] =	wrdreg $0xFFFFFFFF  }
0xd0: {  	_ =	task.clear_ibuf [dreg:s22], $0x2FFFF;
	_ =	strace $0x9FFFFFFF  }
0xd1: {  	(tm) =	ssettm $0x7FFFFFFF  }
tec
execute0_lowered:
.L_overlay_start_1:
0x0: {  	(tag) =	ssettag $0x1  }
0x1: {  	s4 =	rddreg [dreg:$0x0]  }
0x2: {  	s1 =	srdreg.scid;
	s0 =	stileid.u32  }
0x3: {  	s2 =	rddreg [dreg:$0x1];
	s3 =	simm.s32 $0x0;
	s14 =	simm.s32 $0x78  }
0x4: {  	s15 =	simm.s32 $0x10C00;
	s16 =	simm.s32 $0x10080;
	s17 =	simm.s32 $0x14800  }
0x5: {  	s18 =	simm.s32 $0x1;
	s19 =	simm.s32 $0x2;
	s20 =	simm.s32 $0x0  }
0x6: {  	s7 =	sand.u32 $0x1, s1;
	s5 =	sshll.u32 s0, $0x1;
	s1 =	rddreg [dreg:$0x2]  }
0x7: {  	[smem:$0x7FF] =	sst s3;
	s8 =	sshll.u32 s0, $0xD;
	s10 =	sadd.s32 $0x227C00, s4  }
0x8: {  	s28 =	sshll.u32 s0, $0x10;
	s29 =	sshll.u32 s0, $0x6;
	s31 =	smul.u32 $0x16800, s0  }
0x9: {  	s5 =	sor.u32 s7, s5;
	_ =	strace $0x8000004A;
	s13 =	smul.u32 $0xB400, s7  }
0xa: {  	s9 =	ssub.s32 $0x2, s7;
	s8 =	sadd.s32 s8, s4;
	s6 =	smul.u32 $0x180, s5  }
0xb: {  	s12 =	sadd.s32 s28, s2;
	s26 =	sshrl.u32 s9, $0x1;
	s11 =	smul.u32 $0x5A000, s5  }
0xc: {  	s5 =	sor.u32 $0x1C03, s29;
	s9 =	ssub.s32 s9, s26;
	s6 =	sadd.s32 s6, s4  }
0xd: {  	s4 =	sadd.s32 $0x99C00, s8;
	s30 =	sshrl.u32 s11, $0x3;
	s9 =	smax.u32 s9, $0x1  }
0xe: {  	s11 =	sshrl.u32 s12, $0x3;
	s12 =	simm.s32 $0x3;
	s8 =	sadd.s32 s10, s30  }
0xf: {  	s6 =	sadd.s32 $0x224C00, s6;
	s10 =	sadd.s32 s31, s10;
	s7 =	sadd.s32 $0xA500, s8  }
0x10: {  	s8 =	sadd.s32 $0xAC80, s8;
	s10 =	sadd.s32 s13, s10;
	s13 =	simm.s32 $0x10000  }
.LBB2_1:
0x11: {  	[spmem:s11], [sflag:s5] =	dma.local [hbm:s4], $0x2000  }
0x12: {  	_ =	swait.ge [sflag:s12], $0x2000  }
0x13: {  	[sflag:s12] =	ssyncset.done $0x0  }
0x14: {  	[sflag:s12] =	ssyncadd.s32 $0xFFFFE000  }
0x15: {  	[tilespmem:s13], [sflag:$0x3] =	stream.linear.gather [hbm4b:s6+s3], $0xC00, $0x38;
	[tilespmem:$0x18400] =	vst v63  }
0x16: {  	_ =	swait.ge [sflag:s12], $0xC00  }
0x17: {  	[sflag:s12] =	ssyncset.done $0x0  }
0x18: {  	[sflag:s12] =	ssyncadd.s32 $0xFFFFF400  }
0x19: {  	[bflag:$0x0] =	sbarrier.arrive $0xFFFF  }
0x1a: {  	[tilespmem:s15], [sflag:$0x1] =	stream.indirect.gather [spmem:s2], $0x80, s13, s14, $0xb8;
	[tilespmem:$0x18400] =	vst v63  }
0x1b: {  	_ = 	snop  }
0x1c: {  	[tilespmem:s17], [sflag:$0x2] =	stream.indirect.gather [spmem:s2], $0x80, s16, s14, $0xb8;
	[tilespmem:$0x18400] =	vst v63  }
0x1d: {  	_ =	swait.ge [sflag:s18], $0x3C00  }
0x1e: {  	[sflag:s18] =	ssyncset.done $0x0  }
0x1f: {  	s21 =	sadd.s32 $0x0, s10;
	[sflag:s18] =	ssyncadd.s32 $0xFFFFC400  }
0x20: {  	[hbm4b:s21+s3] =	stream.linear.scatter [tilespmem:s15], [sflag:$0x3], $0x3C00, $0x38;
	[tilespmem:$0x18400] =	vst v63  }
0x21: {  	_ =	swait.ge [sflag:s12], $0x3C00  }
0x22: {  	[sflag:s12] =	ssyncset.done $0x0  }
0x23: {  	s22 =	simm.s32 $0x10100;
	[sflag:s12] =	ssyncadd.s32 $0xFFFFC400  }
0x24: {  	[tilespmem:s15], [sflag:$0x1] =	stream.indirect.gather [spmem:s2], $0x80, s22, s14, $0xb8;
	[tilespmem:$0x18400] =	vst v63  }
0x25: {  	_ =	swait.ge [sflag:s19], $0x3C00  }
0x26: {  	[sflag:s19] =	ssyncset.done $0x0  }
0x27: {  	s21 =	sadd.s32 $0x780, s21;
	[sflag:s19] =	ssyncadd.s32 $0xFFFFC400  }
0x28: {  	[hbm4b:s21+s3] =	stream.linear.scatter [tilespmem:s17], [sflag:$0x3], $0x3C00, $0x38;
	[tilespmem:$0x18400] =	vst v63  }
0x29: {  	_ =	swait.ge [sflag:s12], $0x3C00  }
0x2a: {  	s23 =	simm.s32 $0x10280;
	[sflag:s12] =	ssyncset.done $0x0  }
0x2b: {  	s22 =	simm.s32 $0xF00;
	s21 =	simm.s32 $0x10180;
	[sflag:s12] =	ssyncadd.s32 $0xFFFFC400  }
.LBB2_2:
0x2c: {  	[tilespmem:s17], [sflag:$0x2] =	stream.indirect.gather [spmem:s2], $0x80, s21, s14, $0xb8;
	[tilespmem:$0x18400] =	vst v63  }
0x2d: {  	s24 =	smov.u32 s22;
	s21 =	smov.u32 s23  }
0x2e: {  	p0 =	sne.s32 s22, $0x9600;
	s22 =	sadd.s32 $0xF00, s22;
	_ =	swait.ge [sflag:s18], $0x3C00  }
0x2f: {  	[sflag:s18] =	ssyncset.done $0x0  }
0x30: {  	s24 =	sadd.s32 s24, s10;
	[sflag:s18] =	ssyncadd.s32 $0xFFFFC400  }
0x31: {  	[hbm4b:s24+s3] =	stream.linear.scatter [tilespmem:s15], [sflag:$0x3], $0x3C00, $0x38;
	[tilespmem:$0x18400] =	vst v63  }
0x32: {  	_ =	swait.ge [sflag:s12], $0x3C00  }
0x33: {  	[sflag:s12] =	ssyncset.done $0x0  }
0x34: {  	s25 =	sadd.s32 $0xFFFFFF80, s23;
	[sflag:s12] =	ssyncadd.s32 $0xFFFFC400  }
0x35: {  	[tilespmem:s15], [sflag:$0x1] =	stream.indirect.gather [spmem:s2], $0x80, s25, s14, $0xb8;
	[tilespmem:$0x18400] =	vst v63  }
0x36: {  	_ =	swait.ge [sflag:s19], $0x3C00  }
0x37: {  	[sflag:s19] =	ssyncset.done $0x0  }
.Ltmp0:
0x38: {  	s24 =	sadd.s32 $0x780, s24;
	[sflag:s19] =	ssyncadd.s32 $0xFFFFC400;
	(pc) =	sbr.rel @p0 .LBB2_2-.Ltmp0, $4  }
0x39: {  	[hbm4b:s24+s3] =	stream.linear.scatter [tilespmem:s17], [sflag:$0x3], $0x3C00, $0x38;
	[tilespmem:$0x18400] =	vst v63  }
0x3a: {  	_ =	swait.ge [sflag:s12], $0x3C00  }
0x3b: {  	[sflag:s12] =	ssyncset.done $0x0  }
0x3c: {  	s23 =	sadd.s32 $0x100, s23;
	[sflag:s12] =	ssyncadd.s32 $0xFFFFC400  }
0x3d: {  	[tilespmem:s17], [sflag:$0x2] =	stream.indirect.gather [spmem:s2], $0x80, s21, s14, $0xb8;
	[tilespmem:$0x18400] =	vst v63  }
0x3e: {  	_ =	swait.ge [sflag:s18], $0x3C00  }
0x3f: {  	[sflag:s18] =	ssyncset.done $0x0  }
0x40: {  	[sflag:s18] =	ssyncadd.s32 $0xFFFFC400  }
0x41: {  	[hbm4b:s7+s3] =	stream.linear.scatter [tilespmem:s15], [sflag:$0x3], $0x3C00, $0x38;
	[tilespmem:$0x18400] =	vst v63  }
0x42: {  	_ =	swait.ge [sflag:s12], $0x3C00  }
0x43: {  	[sflag:s12] =	ssyncset.done $0x0  }
0x44: {  	[sflag:s12] =	ssyncadd.s32 $0xFFFFC400  }
0x45: {  	s20 =	sadd.s32 $0x1, s20;
	_ =	swait.ge [sflag:s19], $0x3C00  }
0x46: {  	p0 =	sne.s32 s20, s9;
	[sflag:s19] =	ssyncset.done $0x0  }
.Ltmp1:
0x47: {  	[sflag:s19] =	ssyncadd.s32 $0xFFFFC400;
	(pc) =	sbr.rel @p0 .LBB2_1-.Ltmp1, $4  }
0x48: {  	[hbm4b:s8+s3] =	stream.linear.scatter [tilespmem:s17], [sflag:$0x3], $0x3C00, $0x38;
	[tilespmem:$0x18400] =	vst v63  }
0x49: {  	_ =	swait.ge [sflag:s12], $0x3C00  }
0x4a: {  	[sflag:s12] =	ssyncset.done $0x0  }
0x4b: {  	[sflag:s12] =	ssyncadd.s32 $0xFFFFC400  }
0x4c: {  	_ =	sfence.sel $0x180000  }
0x4d: {  	[bflag:$0x0] =	sbarrier.arrive $0xFFFF  }
0x4e: {  	p0 =	sne.s32 s0, $0x0;
	_ =	strace $0x9000004A  }
0x4f: {  	s0 =	sadd.s32 @!p0 $0x100000, s1;
	[bflag:$0x2] =	sbarrier.arrive $0xFFFF  }
0x50: {  	[sflag:s0] =	ssyncadd.tile.s32 @!p0 $0x1;
	_ =	shalt  }
.Lfunc_end2:
_tile_overlayer_lowered:
.L_overlay_start_2:
0x51: {  	(tag) =	ssettag $0x2  }
0x52: {  	s0 =	rddreg [dreg:$0x0];
	s2 =	stileid.u32  }
0x53: {  	s1 =	rddreg [dreg:$0x1];
	p0 =	sne.s32 s2, $0x0  }
0x54: {  	s3 =	rddreg [dreg:$0x2];
	[bflag:$0x3] =	sbarrier.arrive $0xFFFF;
	s2 =	simm.s32 @!p0 $0x1C03  }
0x55: {  	[timem:s3], [sflag:s2] =	dma.local @!p0 [hbm:s0], s1  }
0x56: {  	s0 =	simm.s32 @!p0 $0x3  }
0x57: {  	_ =	swait.ge @!p0 [sflag:s0], s1  }
0x58: {  	s1 =	ssub.s32 @!p0 $0x0, s1;
	[sflag:s0] =	ssyncset.done @!p0 $0x0  }
0x59: {  	[sflag:s0] =	ssyncadd.s32 @!p0 s1  }
0x5a: {  	[bflag:$0x3] =	sbarrier.arrive $0xFFFF  }
0x5b: {  	_ =	shalt  }

// kernel: kernel.8.cloned.1.call-start
scs
__scs_entry_jumppad:
0x0: {  	(pc) =	sbr.rel $0x88, $3  }
0x1: {  	(tag) =	ssettag $0x0;
	lr =	simm.s32 $0x1  }
0x2: {  	[smem:$0x3F99] =	sst lr;
	_ =	strace $0xD0000000  }
0x3: {  	_ = 	snop  }
0x4: {  	_ = 	snop  }
0x5: {  	_ = 	snop  }
0x6: {  	_ = 	snop  }
0x7: {  	_ = 	snop  }
__scs_overlays_trampoline_lowered:
0x8: {  	[smem:$0x3FA8] =	sst s0  }
0x9: {  	[smem:$0x3FA9] =	sst s1  }
0xa: {  	[smem:$0x3FAA] =	sst s2  }
0xb: {  	[smem:$0x3FAB] =	sst s3  }
0xc: {  	[smem:$0x3FAC] =	sst s4  }
0xd: {  	[smem:$0x3FAD] =	sst s5  }
0xe: {  	[smem:$0x3FAE] =	sst s6  }
0xf: {  	[smem:$0x3FAF] =	sst s7  }
0x10: {  	[smem:$0x3FB0] =	sst s8  }
0x11: {  	[smem:$0x3FB1] =	sst s9;
	s0 =	simm.s32 @!p0 $0x0  }
0x12: {  	s1 =	sld [smem:$0x3F97];
	s0 =	simm.s32 @p0 $0x1  }
0x13: {  	[smem:$0x3FB2] =	sst s0;
	s0 =	simm.s32 @!p1 $0x0  }
0x14: {  	s2 =	sld [smem:$0x3F96];
	s0 =	simm.s32 @p1 $0x1  }
0x15: {  	[smem:$0x3FB3] =	sst s0;
	s0 =	simm.s32 @!p2 $0x0  }
0x16: {  	s3 =	sld [smem:$0x3FDB];
	s0 =	simm.s32 @p2 $0x1  }
0x17: {  	s4 =	simm.s32 $0x1BF5;
	[smem:$0x3FB5] =	sst s0  }
0x18: {  	s0 =	sld [smem:$0x3F98];
	_ =	swait.ge [sflag:s4], $0x0  }
0x19: {  	s7 =	sld [smem:$0x3F99]  }
0x1a: {  	s8 =	sadd.s32 $0xFFFFE003, lr  }
0x1b: {  	s9 =	sadd.s32 $0xFFFFFEF7, lr;
	s5 =	simm.s32 $0xFFFFFFFF;
	p2 =	slt.u32 s8, $0xFFFFF086  }
0x1c: {  	p1 =	slt.u32 s9, $0xF7A;
	s5 =	simm.s32 @!p2 $0x0  }
0x1d: {  	s5 =	simm.s32 @p1 $0x1;
	p0 =	seq.s32 s7, s2  }
0x1e: {  	s7 =	smul.u32 @!p0 $0xF7A, s2;
	p2 =	seq.s32 @!p0 s5, $0x0  }
0x1f: {  	s9 =	smul.u32 $0xF7A, s1;
	s8 =	simm.s32 @!p0 $0x1BF5;
	p2 =	por !p2, p0  }
0x20: {  	[sflag:s8] =	ssyncset.s32 @!p0 $0xFFFFF086;
	s6 =	sadd.s32 @!p0 s3, s7;
	s7 =	simm.s32 @!p0 $0x108  }
0x21: {  	s3 =	sadd.s32 s3, s9;
	s6 =	sadd.s32 @!p0 $0x88, s6;
	s7 =	simm.s32 @p2 $0x1082  }
0x22: {  	[simem:s7], [sflag:s8] =	dma.local @!p0 [hbm:s6], $0xF7A  }
0x23: {  	s9 =	sor.u32 $0xD0000000, s2;
	s6 =	simm.s32 $0x108;
	_ =	swait.ge @!p0 [sflag:s8], $0x0  }
0x24: {  	s3 =	sadd.s32 $0x88, s3;
	s6 =	simm.s32 @!p1 $0x1082;
	[sflag:s4] =	ssyncset.s32 $0xFFFFF086  }
0x25: {  	[simem:s6], [sflag:s4] =	dma.local [hbm:s3], $0xF7A  }
0x26: {  	[smem:$0x3F99] =	sst s1;
	(tag) =	ssettag s2;
	_ =	strace s9  }
0x27: {  	s1 =	sld [smem:$0x3FA9]  }
0x28: {  	s2 =	sld [smem:$0x3FAA]  }
0x29: {  	s4 =	sld [smem:$0x3FAC]  }
0x2a: {  	p0 =	seq.s32 s5, $0x0;
	s5 =	sld [smem:$0x3FAD]  }
0x2b: {  	s6 =	sld [smem:$0x3FAE]  }
0x2c: {  	s7 =	sld [smem:$0x3FAF]  }
0x2d: {  	s3 =	simm.s32 $0x108;
	s8 =	sld [smem:$0x3FB0]  }
0x2e: {  	s3 =	simm.s32 @!p0 $0x1082;
	s9 =	sld [smem:$0x3FB1]  }
0x2f: {  	lr =	sadd.s32 s0, s3;
	s0 =	sld [smem:$0x3FA8]  }
0x30: {  	s3 =	sld [smem:$0x3FAB]  }
0x31: {  	[smem:$0x3FB4] =	sst s10  }
0x32: {  	s10 =	sld [smem:$0x3FB2];
	_ =	sdelay $0x3  }
0x33: {  	p0 =	seq.s32 s10, $0x1;
	s10 =	sld [smem:$0x3FB4];
	_ =	sdelay $0x3  }
0x34: {  	[smem:$0x3FB4] =	sst s10  }
0x35: {  	s10 =	sld [smem:$0x3FB3];
	_ =	sdelay $0x3  }
0x36: {  	p1 =	seq.s32 s10, $0x1;
	s10 =	sld [smem:$0x3FB4];
	_ =	sdelay $0x3  }
0x37: {  	[smem:$0x3FB4] =	sst s10  }
0x38: {  	s10 =	sld [smem:$0x3FB5]  }
0x39: {  	_ = 	snop;
	(pc) =	sbr.ind lr, $3  }
0x3a: {  	_ = 	snop  }
0x3b: {  	_ = 	snop  }
0x3c: {  	p2 =	seq.s32 s10, $0x1;
	s10 =	sld [smem:$0x3FB4]  }
0x3d: {  	_ =	shalt  }
0x3e: {  	_ =	shalt  }
0x3f: {  	_ =	shalt  }
0x40: {  	_ =	shalt  }
0x41: {  	_ =	shalt  }
0x42: {  	_ =	shalt  }
0x43: {  	_ =	shalt  }
0x44: {  	_ =	shalt  }
0x45: {  	_ =	shalt  }
0x46: {  	_ =	shalt  }
0x47: {  	_ =	shalt  }
0x48: {  	_ =	shalt  }
0x49: {  	_ =	shalt  }
0x4a: {  	_ =	shalt  }
0x4b: {  	_ =	shalt  }
0x4c: {  	_ =	shalt  }
0x4d: {  	_ =	shalt  }
0x4e: {  	_ =	shalt  }
0x4f: {  	_ =	shalt  }
0x50: {  	_ =	shalt  }
0x51: {  	_ =	shalt  }
0x52: {  	_ =	shalt  }
0x53: {  	_ =	shalt  }
0x54: {  	_ =	shalt  }
0x55: {  	_ =	shalt  }
0x56: {  	_ =	shalt  }
0x57: {  	_ =	shalt  }
0x58: {  	_ =	shalt  }
0x59: {  	_ =	shalt  }
0x5a: {  	_ =	shalt  }
0x5b: {  	_ =	shalt  }
0x5c: {  	_ =	shalt  }
0x5d: {  	_ =	shalt  }
0x5e: {  	_ =	shalt  }
0x5f: {  	_ =	shalt  }
0x60: {  	_ =	shalt  }
0x61: {  	_ =	shalt  }
0x62: {  	_ =	shalt  }
0x63: {  	_ =	shalt  }
0x64: {  	_ =	shalt  }
0x65: {  	_ =	shalt  }
0x66: {  	_ =	shalt  }
0x67: {  	_ =	shalt  }
0x68: {  	_ =	shalt  }
0x69: {  	_ =	shalt  }
0x6a: {  	_ =	shalt  }
0x6b: {  	_ =	shalt  }
0x6c: {  	_ =	shalt  }
0x6d: {  	_ =	shalt  }
0x6e: {  	_ =	shalt  }
0x6f: {  	_ =	shalt  }
0x70: {  	_ =	shalt  }
0x71: {  	_ =	shalt  }
0x72: {  	_ =	shalt  }
0x73: {  	_ =	shalt  }
0x74: {  	_ =	shalt  }
0x75: {  	_ =	shalt  }
0x76: {  	_ =	shalt  }
0x77: {  	_ =	shalt  }
0x78: {  	_ =	shalt  }
0x79: {  	_ =	shalt  }
0x7a: {  	_ =	shalt  }
0x7b: {  	_ =	shalt  }
0x7c: {  	_ =	shalt  }
0x7d: {  	_ =	shalt  }
0x7e: {  	_ =	shalt  }
0x7f: {  	_ =	shalt  }
0x80: {  	_ =	shalt  }
0x81: {  	_ =	shalt  }
0x82: {  	_ =	shalt  }
0x83: {  	_ =	shalt  }
0x84: {  	_ =	shalt  }
0x85: {  	_ =	shalt  }
0x86: {  	_ =	shalt  }
0x87: {  	_ =	shalt  }
.Lfunc_end0:
.L_simem_size_0:
called_computation_lowered:
.L_overlay_start_0:
0x88: {  	s2 =	sld [smem:$0x3FD9]  }
0x89: {  	s3 =	sld [smem:$0x3FFE];
	_ =	sdelay $0x1  }
0x8a: {  	s1 =	srdreg.scid  }
0x8b: {  	s0 =	sand.u32 $0x1, s1  }
0x8c: {  	s16 =	sshll.u32 s0, $0xA;
	s2 =	sadd.s32 s3, s2  }
0x8d: {  	s2 =	sadd.s32 s2, s16  }
0x8e: {  	[smem:$0x3FC0] =	sst s2  }
0x8f: {  	_ = 	snop  }
0x90: {  	(tm) =	ssettm $0x1  }
0x91: {  	s17 =	sld [smem:$0x3FFB];
	_ =	sdelay $0x3  }
0x92: {  	_ =	strace s17  }
0x93: {  	s2 =	sld [smem:$0x3FFC];
	_ =	sdelay $0x3  }
0x94: {  	_ =	strace s2  }
0x95: {  	s2 =	sld [smem:$0x3FFD];
	_ =	sdelay $0x3  }
0x96: {  	_ =	strace s2  }
0x97: {  	_ =	strace $0x8FFFFFFF  }
0x98: {  	s18 =	sld [smem:$0x3FDB];
	_ =	sdelay $0x1  }
0x99: {  	s19 =	simm.s32 $_scs_section_size  }
0x9a: {  	s4 =	simm.s32 $_size__tile_overlayer_lowered;
	s5 =	simm.s32 $_tile_overlayer_lowered  }
0x9b: {  	s22 =	simm.s32 $0x1BFF;
	s21 =	sshll.u32 s5, $0x1;
	s2 =	sadd.s32 s19, s18  }
0x9c: {  	s6 =	simm.s32 $0x0;
	s20 =	sshll.u32 s4, $0x1;
	s4 =	sadd.s32 s21, s2  }
0x9d: {  	[timem:s6], [sflag:s22] =	dma.local [hbm:s4], s20  }
0x9e: {  	_ =	swait.ge [sflag:s22], s20  }
0x9f: {  	s3 =	ssub.s32 $0x0, s20;
	[sflag:s22] =	ssyncset.done $0x0  }
0xa0: {  	[sflag:s22] =	ssyncadd.s32 s3;
	_ =	sdelay $0x1  }
0xa1: {  	s23 =	simm.s32 $0x1B8B  }
0xa2: {  	_ =	swait.ge [sflag:s23], $0x1  }
0xa3: {  	[sflag:s23] =	ssyncset.done $0x0  }
0xa4: {  	s25 =	simm.s32 $0x1B8E;
	s24 =	sld [smem:$0x3FFE];
	[sflag:s23] =	ssyncadd.s32 $0xFFFFFFFF  }
0xa5: {  	s26 =	simm.s32 $execute0_lowered;
	[smem:$0x3FD2] =	sst s25  }
0xa6: {  	s4 =	sshll.u32 s26, $0x1;
	_ =	strace $0x80000046;
	[dreg:$0x1] =	wrdreg $0xFFFFFFFF  }
0xa7: {  	s28 =	simm.s32 $_size_execute0_lowered;
	s2 =	sadd.s32 s2, s4;
	[dreg:$0x0] =	wrdreg $0x0  }
0xa8: {  	s4 =	sshll.u32 s28, $0x1;
	[dreg:$0x2] =	wrdreg s2  }
0xa9: {  	[dreg:$0x3] =	wrdreg s4  }
0xaa: {  	[dreg:$0x4] =	wrdreg $0xC0  }
0xab: {  	_ =	task [dreg:s6], $0x5FFFF  }
0xac: {  	[dreg:$0x1] =	wrdreg $0xFFFFFFFF  }
0xad: {  	[dreg:$0x0] =	wrdreg $0x60  }
0xae: {  	[dreg:$0x2] =	wrdreg s24  }
0xaf: {  	[dreg:$0x3] =	wrdreg $0x0  }
0xb0: {  	[dreg:$0x4] =	wrdreg $0x9  }
0xb1: {  	_ =	task.clear_ibuf [dreg:s6], $0x5FFFF;
	_ =	strace $0x90000046  }
0xb2: {  	s29 =	simm.s32 $0x9;
	_ =	strace $0x80000048  }
0xb3: {  	_ =	swait.ge [sflag:s29], $0x1  }
0xb4: {  	[sflag:s29] =	ssyncadd.s32 $0xFFFFFFFF  }
0xb5: {  	_ =	strace $0x90000048  }
0xb6: {  	_ =	sfence  }
0xb7: {  	s30 =	sld [smem:$0x0];
	_ =	sdelay $0x2  }
0xb8: {  	s31 =	sshll.u32 s1, $0xD;
	s1 =	sshrl.u32 s1, $0x2  }
0xb9: {  	s3 =	sand.u32 $0x4000, s31;
	s1 =	sadd.s32 s1, s30  }
0xba: {  	s0 =	sor.u32 s3, s0;
	s1 =	sshll.u32 s1, $0x11  }
0xbb: {  	s0 =	sor.u32 s1, s0  }
0xbc: {  	s0 =	sadd.s32 $0x8F2B, s0  }
0xbd: {  	[sflag:s0] =	ssyncadd.remote.s32 $0x1  }
0xbe: {  	_ =	sfence.sel $0xFFFF  }
0xbf: {  	[dreg:$0x0] =	wrdreg $0xFFFFFFFF;
	(pc) =	sbr.abs _section_cstart, $3  }
0xc0: {  	[dreg:$0x1] =	wrdreg $0xFFFFFFFF  }
0xc1: {  	_ =	task.clear_ibuf [dreg:s6], $0x2FFFF;
	_ =	strace $0x9FFFFFFF  }
0xc2: {  	(tm) =	ssettm $0x7FFFFFFF  }
0xc3: {  	_ =	shalt  }
tec
execute0_lowered:
.L_overlay_start_1:
0x0: {  	(tag) =	ssettag $0x1  }
0x1: {  	s4 =	rddreg [dreg:$0x0]  }
0x2: {  	s1 =	srdreg.scid;
	s0 =	stileid.u32  }
0x3: {  	s2 =	rddreg [dreg:$0x1];
	s3 =	simm.s32 $0x0;
	s14 =	simm.s32 $0x78  }
0x4: {  	s15 =	simm.s32 $0x10C00;
	s16 =	simm.s32 $0x10080;
	s17 =	simm.s32 $0x14800  }
0x5: {  	s18 =	simm.s32 $0x1;
	s19 =	simm.s32 $0x2;
	s20 =	simm.s32 $0x0  }
0x6: {  	s7 =	sand.u32 $0x1, s1;
	s5 =	sshll.u32 s0, $0x1;
	s1 =	rddreg [dreg:$0x2]  }
0x7: {  	[smem:$0x7FF] =	sst s3;
	s8 =	sshll.u32 s0, $0xD;
	s10 =	sadd.s32 $0xBCC00, s4  }
0x8: {  	s28 =	sshll.u32 s0, $0x10;
	s29 =	sshll.u32 s0, $0x6;
	s31 =	smul.u32 $0x16800, s0  }
0x9: {  	s5 =	sor.u32 s7, s5;
	_ =	strace $0x80000047;
	s13 =	smul.u32 $0xB400, s7  }
0xa: {  	s9 =	ssub.s32 $0x2, s7;
	s8 =	sadd.s32 s8, s4;
	s6 =	smul.u32 $0x180, s5  }
0xb: {  	s12 =	sadd.s32 s28, s2;
	s26 =	sshrl.u32 s9, $0x1;
	s11 =	smul.u32 $0x5A000, s5  }
0xc: {  	s5 =	sor.u32 $0x1C03, s29;
	s9 =	ssub.s32 s9, s26;
	s6 =	sadd.s32 s6, s4  }
0xd: {  	s4 =	sadd.s32 $0x79C00, s8;
	s30 =	sshrl.u32 s11, $0x3;
	s9 =	smax.u32 s9, $0x1  }
0xe: {  	s11 =	sshrl.u32 s12, $0x3;
	s12 =	simm.s32 $0x3;
	s8 =	sadd.s32 s10, s30  }
0xf: {  	s6 =	sadd.s32 $0xB9C00, s6;
	s10 =	sadd.s32 s31, s10;
	s7 =	sadd.s32 $0xA500, s8  }
0x10: {  	s8 =	sadd.s32 $0xAC80, s8;
	s10 =	sadd.s32 s13, s10;
	s13 =	simm.s32 $0x10000  }
.LBB2_1:
0x11: {  	[spmem:s11], [sflag:s5] =	dma.local [hbm:s4], $0x2000  }
0x12: {  	_ =	swait.ge [sflag:s12], $0x2000  }
0x13: {  	[sflag:s12] =	ssyncset.done $0x0  }
0x14: {  	[sflag:s12] =	ssyncadd.s32 $0xFFFFE000  }
0x15: {  	[tilespmem:s13], [sflag:$0x3] =	stream.linear.gather [hbm4b:s6+s3], $0xC00, $0x38;
	[tilespmem:$0x18400] =	vst v63  }
0x16: {  	_ =	swait.ge [sflag:s12], $0xC00  }
0x17: {  	[sflag:s12] =	ssyncset.done $0x0  }
0x18: {  	[sflag:s12] =	ssyncadd.s32 $0xFFFFF400  }
0x19: {  	[bflag:$0x0] =	sbarrier.arrive $0xFFFF  }
0x1a: {  	[tilespmem:s15], [sflag:$0x1] =	stream.indirect.gather [spmem:s2], $0x80, s13, s14, $0xb8;
	[tilespmem:$0x18400] =	vst v63  }
0x1b: {  	_ = 	snop  }
0x1c: {  	[tilespmem:s17], [sflag:$0x2] =	stream.indirect.gather [spmem:s2], $0x80, s16, s14, $0xb8;
	[tilespmem:$0x18400] =	vst v63  }
0x1d: {  	_ =	swait.ge [sflag:s18], $0x3C00  }
0x1e: {  	[sflag:s18] =	ssyncset.done $0x0  }
0x1f: {  	s21 =	sadd.s32 $0x0, s10;
	[sflag:s18] =	ssyncadd.s32 $0xFFFFC400  }
0x20: {  	[hbm4b:s21+s3] =	stream.linear.scatter [tilespmem:s15], [sflag:$0x3], $0x3C00, $0x38;
	[tilespmem:$0x18400] =	vst v63  }
0x21: {  	_ =	swait.ge [sflag:s12], $0x3C00  }
0x22: {  	[sflag:s12] =	ssyncset.done $0x0  }
0x23: {  	s22 =	simm.s32 $0x10100;
	[sflag:s12] =	ssyncadd.s32 $0xFFFFC400  }
0x24: {  	[tilespmem:s15], [sflag:$0x1] =	stream.indirect.gather [spmem:s2], $0x80, s22, s14, $0xb8;
	[tilespmem:$0x18400] =	vst v63  }
0x25: {  	_ =	swait.ge [sflag:s19], $0x3C00  }
0x26: {  	[sflag:s19] =	ssyncset.done $0x0  }
0x27: {  	s21 =	sadd.s32 $0x780, s21;
	[sflag:s19] =	ssyncadd.s32 $0xFFFFC400  }
0x28: {  	[hbm4b:s21+s3] =	stream.linear.scatter [tilespmem:s17], [sflag:$0x3], $0x3C00, $0x38;
	[tilespmem:$0x18400] =	vst v63  }
0x29: {  	_ =	swait.ge [sflag:s12], $0x3C00  }
0x2a: {  	s23 =	simm.s32 $0x10280;
	[sflag:s12] =	ssyncset.done $0x0  }
0x2b: {  	s22 =	simm.s32 $0xF00;
	s21 =	simm.s32 $0x10180;
	[sflag:s12] =	ssyncadd.s32 $0xFFFFC400  }
.LBB2_2:
0x2c: {  	[tilespmem:s17], [sflag:$0x2] =	stream.indirect.gather [spmem:s2], $0x80, s21, s14, $0xb8;
	[tilespmem:$0x18400] =	vst v63  }
0x2d: {  	s24 =	smov.u32 s22;
	s21 =	smov.u32 s23  }
0x2e: {  	p0 =	sne.s32 s22, $0x9600;
	s22 =	sadd.s32 $0xF00, s22;
	_ =	swait.ge [sflag:s18], $0x3C00  }
0x2f: {  	[sflag:s18] =	ssyncset.done $0x0  }
0x30: {  	s24 =	sadd.s32 s24, s10;
	[sflag:s18] =	ssyncadd.s32 $0xFFFFC400  }
0x31: {  	[hbm4b:s24+s3] =	stream.linear.scatter [tilespmem:s15], [sflag:$0x3], $0x3C00, $0x38;
	[tilespmem:$0x18400] =	vst v63  }
0x32: {  	_ =	swait.ge [sflag:s12], $0x3C00  }
0x33: {  	[sflag:s12] =	ssyncset.done $0x0  }
0x34: {  	s25 =	sadd.s32 $0xFFFFFF80, s23;
	[sflag:s12] =	ssyncadd.s32 $0xFFFFC400  }
0x35: {  	[tilespmem:s15], [sflag:$0x1] =	stream.indirect.gather [spmem:s2], $0x80, s25, s14, $0xb8;
	[tilespmem:$0x18400] =	vst v63  }
0x36: {  	_ =	swait.ge [sflag:s19], $0x3C00  }
0x37: {  	[sflag:s19] =	ssyncset.done $0x0  }
.Ltmp0:
0x38: {  	s24 =	sadd.s32 $0x780, s24;
	[sflag:s19] =	ssyncadd.s32 $0xFFFFC400;
	(pc) =	sbr.rel @p0 .LBB2_2-.Ltmp0, $4  }
0x39: {  	[hbm4b:s24+s3] =	stream.linear.scatter [tilespmem:s17], [sflag:$0x3], $0x3C00, $0x38;
	[tilespmem:$0x18400] =	vst v63  }
0x3a: {  	_ =	swait.ge [sflag:s12], $0x3C00  }
0x3b: {  	[sflag:s12] =	ssyncset.done $0x0  }
0x3c: {  	s23 =	sadd.s32 $0x100, s23;
	[sflag:s12] =	ssyncadd.s32 $0xFFFFC400  }
0x3d: {  	[tilespmem:s17], [sflag:$0x2] =	stream.indirect.gather [spmem:s2], $0x80, s21, s14, $0xb8;
	[tilespmem:$0x18400] =	vst v63  }
0x3e: {  	_ =	swait.ge [sflag:s18], $0x3C00  }
0x3f: {  	[sflag:s18] =	ssyncset.done $0x0  }
0x40: {  	[sflag:s18] =	ssyncadd.s32 $0xFFFFC400  }
0x41: {  	[hbm4b:s7+s3] =	stream.linear.scatter [tilespmem:s15], [sflag:$0x3], $0x3C00, $0x38;
	[tilespmem:$0x18400] =	vst v63  }
0x42: {  	_ =	swait.ge [sflag:s12], $0x3C00  }
0x43: {  	[sflag:s12] =	ssyncset.done $0x0  }
0x44: {  	[sflag:s12] =	ssyncadd.s32 $0xFFFFC400  }
0x45: {  	s20 =	sadd.s32 $0x1, s20;
	_ =	swait.ge [sflag:s19], $0x3C00  }
0x46: {  	p0 =	sne.s32 s20, s9;
	[sflag:s19] =	ssyncset.done $0x0  }
.Ltmp1:
0x47: {  	[sflag:s19] =	ssyncadd.s32 $0xFFFFC400;
	(pc) =	sbr.rel @p0 .LBB2_1-.Ltmp1, $4  }
0x48: {  	[hbm4b:s8+s3] =	stream.linear.scatter [tilespmem:s17], [sflag:$0x3], $0x3C00, $0x38;
	[tilespmem:$0x18400] =	vst v63  }
0x49: {  	_ =	swait.ge [sflag:s12], $0x3C00  }
0x4a: {  	[sflag:s12] =	ssyncset.done $0x0  }
0x4b: {  	[sflag:s12] =	ssyncadd.s32 $0xFFFFC400  }
0x4c: {  	_ =	sfence.sel $0x180000  }
0x4d: {  	[bflag:$0x0] =	sbarrier.arrive $0xFFFF  }
0x4e: {  	p0 =	sne.s32 s0, $0x0;
	_ =	strace $0x90000047  }
0x4f: {  	s0 =	sadd.s32 @!p0 $0x100000, s1;
	[bflag:$0x2] =	sbarrier.arrive $0xFFFF  }
0x50: {  	[sflag:s0] =	ssyncadd.tile.s32 @!p0 $0x1;
	_ =	shalt  }
.Lfunc_end2:
_tile_overlayer_lowered:
.L_overlay_start_2:
0x51: {  	(tag) =	ssettag $0x2  }
0x52: {  	s0 =	rddreg [dreg:$0x0];
	s2 =	stileid.u32  }
0x53: {  	s1 =	rddreg [dreg:$0x1];
	p0 =	sne.s32 s2, $0x0  }
0x54: {  	s3 =	rddreg [dreg:$0x2];
	[bflag:$0x3] =	sbarrier.arrive $0xFFFF;
	s2 =	simm.s32 @!p0 $0x1C03  }
0x55: {  	[timem:s3], [sflag:s2] =	dma.local @!p0 [hbm:s0], s1  }
0x56: {  	s0 =	simm.s32 @!p0 $0x3  }
0x57: {  	_ =	swait.ge @!p0 [sflag:s0], s1  }
0x58: {  	s1 =	ssub.s32 @!p0 $0x0, s1;
	[sflag:s0] =	ssyncset.done @!p0 $0x0  }
0x59: {  	[sflag:s0] =	ssyncadd.s32 @!p0 s1  }
0x5a: {  	[bflag:$0x3] =	sbarrier.arrive $0xFFFF  }
0x5b: {  	_ =	shalt  }

</sc_bundles>
